<compile_context>
chip_gen: v7x
topology: tpu7x:2x2x1
jax: 0.10.2.dev20260603
libtpu: 0.0.44.dev20260713+nightly
codegen_flags: <defaults>
</compile_context>

<pallas_src>
import jax
import jax.numpy as jnp
from jax import lax
from jax.experimental import pallas as pl
from jax.experimental.pallas import tpu as pltpu

_B = 256
_D = 768
_G = 1024
_P = 32
_T = 5
_K = 16
_MAXIT = _G // _K


def _body(clist_sm, nit_sm, emb_ref, embt_ref, cid_ref, cells_ref, probs_ref,
          latlon_ref, temp_ref, geo_ref, phbm, llh_ref, comb_ref, cell_ref,
          stage0, stage1, sim_sc, idx_sc, sem0, sem1):
    embt = embt_ref[:, :]
    geo = geo_ref[0, 0]
    emb = emb_ref[:, :]
    e2c = jnp.sum(emb * emb, axis=1, keepdims=True)
    e2 = jnp.transpose(e2c)
    piota = lax.broadcasted_iota(jnp.int32, (_K, _P, _B), 1)
    nit = nit_sm[0]

    def _issue(j, stage, sem):
        for k in range(_K):
            c = clist_sm[j * _K + k]
            pltpu.make_async_copy(
                phbm.at[c], stage.at[pl.ds(k * _P, _P), :], sem).start()

    def _wait(stage, sem):
        pltpu.make_async_copy(phbm.at[0], stage, sem).wait()

    _issue(0, stage0, sem0)

    def _step(j, carry):
        even = lax.rem(j, 2) == 0

        @pl.when(jnp.logical_and(j + 1 < nit, even))
        def _():
            _issue(j + 1, stage1, sem1)

        @pl.when(jnp.logical_and(j + 1 < nit, jnp.logical_not(even)))
        def _():
            _issue(j + 1, stage0, sem0)

        @pl.when(even)
        def _():
            _wait(stage0, sem0)

        @pl.when(jnp.logical_not(even))
        def _():
            _wait(stage1, sem1)

        def _compute(rows):
            dotp = lax.dot_general(rows, embt, (((1,), (0,)), ((), ())),
                                   preferred_element_type=jnp.float32)
            p2 = jnp.sum(rows * rows, axis=1, keepdims=True)
            dist = e2 + p2 - 2.0 * dotp
            sim = -dist / geo
            r3 = sim.reshape(_K, _P, _B)
            gmax = jnp.max(r3, axis=1)
            eq = r3 == gmax[:, None, :]
            gidx = jnp.min(jnp.where(eq, piota, _P), axis=1)
            sim_sc[pl.ds(j * _K, _K), :] = gmax
            idx_sc[pl.ds(j * _K, _K), :] = gidx

        @pl.when(even)
        def _():
            _compute(stage0[:, :])

        @pl.when(jnp.logical_not(even))
        def _():
            _compute(stage1[:, :])

        return carry

    lax.fori_loop(0, nit, _step, 0)

    temp = temp_ref[0, 0]
    sim_all = sim_sc[:, :]
    idx_all = idx_sc[:, :]
    cid = cid_ref[:, :]
    bs, bi, cs = [], [], []
    for t in range(_T):
        ct = cells_ref[t:t + 1, :]
        mask = cid == ct
        bs.append(jnp.max(jnp.where(mask, sim_all, -jnp.inf),
                          axis=0, keepdims=True))
        bi.append(jnp.max(jnp.where(mask, idx_all, 0),
                          axis=0, keepdims=True))
        cs.append(ct)
    x = [b / temp for b in bs]
    xm = x[0]
    for t in range(1, _T):
        xm = jnp.maximum(xm, x[t])
    ex = [jnp.exp(xt - xm) for xt in x]
    es = ex[0]
    for t in range(1, _T):
        es = es + ex[t]
    scores = [e / es for e in ex]
    cb = [scores[t] * probs_ref[t:t + 1, :] for t in range(_T)]
    den = cb[0]
    for t in range(1, _T):
        den = den + cb[t]
    den = den + 1e-9
    cb = [c / den for c in cb]
    for t in range(_T):
        comb_ref[t:t + 1, :] = cb[t]
    bv, cellv, protov = cb[0], cs[0], bi[0]
    for t in range(1, _T):
        mm = cb[t] > bv
        bv = jnp.where(mm, cb[t], bv)
        cellv = jnp.where(mm, cs[t], cellv)
        protov = jnp.where(mm, bi[t], protov)
    cell_ref[:, :] = cellv
    giota = lax.broadcasted_iota(jnp.int32, (_G, _B), 0)
    onehot = (giota == cellv).astype(jnp.float32)
    rows = lax.dot_general(latlon_ref[:, :], onehot,
                           (((1,), (0,)), ((), ())),
                           precision=lax.Precision.HIGHEST,
                           preferred_element_type=jnp.float32)
    pi = lax.broadcasted_iota(jnp.int32, (2 * _P, _B), 0)
    lat = jnp.sum(jnp.where(pi == 2 * protov, rows, 0.0),
                  axis=0, keepdims=True)
    lon = jnp.sum(jnp.where(pi == 2 * protov + 1, rows, 0.0),
                  axis=0, keepdims=True)
    llh_ref[0:1, :] = lat
    llh_ref[1:2, :] = lon


def kernel(embedding, initial_preds, candidate_cells, candidate_probs,
           protos, proto_latlon, temperature, geo_scaling):
    if embedding.ndim == 3:
        embedding = embedding.mean(axis=1)
    emb = embedding.astype(jnp.float32)
    embt = emb.T
    cells5 = candidate_cells[:, :_T]
    present = jnp.zeros((_G,), jnp.int32).at[cells5.reshape(-1)].set(1)
    clist = jnp.nonzero(present, size=_G, fill_value=0)[0].astype(jnp.int32)
    count = jnp.sum(present).astype(jnp.int32)
    nit = (count + _K - 1) // _K
    slot = jnp.arange(_G, dtype=jnp.int32)
    cid = jnp.where(slot < count, clist, -1).reshape(_G, 1)
    cellst = cells5.T
    cellst = jnp.pad(cellst, ((0, 3), (0, 0)))
    probst = candidate_probs[:, :_T].T
    probst = jnp.pad(probst, ((0, 3), (0, 0)))
    latlont = proto_latlon.reshape(_G, 2 * _P).T
    temp = jnp.reshape(temperature, (1, 1)).astype(jnp.float32)
    geo = jnp.reshape(geo_scaling, (1, 1)).astype(jnp.float32)

    grid_spec = pltpu.PrefetchScalarGridSpec(
        num_scalar_prefetch=2,
        grid=(1,),
        in_specs=[
            pl.BlockSpec((_B, _D), lambda i, *_: (0, 0)),
            pl.BlockSpec((_D, _B), lambda i, *_: (0, 0)),
            pl.BlockSpec((_G, 1), lambda i, *_: (0, 0)),
            pl.BlockSpec((8, _B), lambda i, *_: (0, 0)),
            pl.BlockSpec((8, _B), lambda i, *_: (0, 0)),
            pl.BlockSpec((2 * _P, _G), lambda i, *_: (0, 0)),
            pl.BlockSpec((1, 1), lambda i, *_: (0, 0)),
            pl.BlockSpec((1, 1), lambda i, *_: (0, 0)),
            pl.BlockSpec(memory_space=pltpu.MemorySpace.HBM),
        ],
        out_specs=[
            pl.BlockSpec((2, _B), lambda i, *_: (0, 0)),
            pl.BlockSpec((8, _B), lambda i, *_: (0, 0)),
            pl.BlockSpec((1, _B), lambda i, *_: (0, 0)),
        ],
        scratch_shapes=[
            pltpu.VMEM((_K * _P, _D), jnp.float32),
            pltpu.VMEM((_K * _P, _D), jnp.float32),
            pltpu.VMEM((_G, _B), jnp.float32),
            pltpu.VMEM((_G, _B), jnp.int32),
            pltpu.SemaphoreType.DMA,
            pltpu.SemaphoreType.DMA,
        ],
    )
    llh, comb, cellc = pl.pallas_call(
        _body,
        grid_spec=grid_spec,
        out_shape=[
            jax.ShapeDtypeStruct((2, _B), jnp.float32),
            jax.ShapeDtypeStruct((8, _B), jnp.float32),
            jax.ShapeDtypeStruct((1, _B), jnp.int32),
        ],
    )(clist, jnp.reshape(nit, (1,)), emb, embt, cid, cellst, probst,
      latlont, temp, geo, protos)
    return llh.T, comb[:_T, :].T, cellc[0, :]

# --- scband reference (transcript-rebuilt; emitter-appended) ---
"""Pipeline reference for scband-proto-refiner-8040178778806 (READ-ONLY COPY).

The authoritative reference and input builder live on the scoring server;
editing this copy changes nothing except your own understanding.
"""

import jax, jax.numpy as jnp
import numpy as np

TOPK = 5

def setup_inputs(seed: int = 0) -> dict:
    key = jax.random.key(seed)
    ks = jax.random.split(key, 8)
    B, K, d = 256, 10, 768
    G, P = 1024, 32
    inp = {}
    inp["embedding"] = jax.random.normal(ks[0], (B, d), dtype=jnp.float32)
    inp["initial_preds"] = jax.random.normal(ks[1], (B, 2), dtype=jnp.float32)
    inp["candidate_cells"] = jax.random.randint(ks[2], (B, K), 0, G, dtype=jnp.int32)
    inp["candidate_probs"] = jax.random.uniform(ks[3], (B, K), dtype=jnp.float32)
    # learned / loaded state: prototype embedding bank and per-proto lat/lon
    inp["protos"] = jax.random.normal(ks[4], (G, P, d), dtype=jnp.float32)
    inp["proto_latlon"] = jax.random.uniform(ks[5], (G, P, 2), dtype=jnp.float32) * 180.0 - 90.0
    inp["temperature"] = jnp.asarray(1.6, dtype=jnp.float32)
    inp["geo_scaling"] = jnp.asarray(20.0, dtype=jnp.float32)
    return inp

def reference(embedding, initial_preds, candidate_cells, candidate_probs, protos, proto_latlon, temperature, geo_scaling):
    # collapse multi-view embeddings if present
    if embedding.ndim == 3:
        embedding = embedding.mean(axis=1)
    cells = candidate_cells[:, :TOPK]                      # [B, T]
    p = jnp.take(protos, cells, axis=0)                    # [B, T, P, d] gather of proto banks
    # squared euclidean distance between query emb and every proto in each candidate cell
    e2 = jnp.sum(embedding * embedding, axis=-1)[:, None, None]   # [B,1,1]
    p2 = jnp.sum(p * p, axis=-1)                                  # [B,T,P]
    dot = jnp.einsum('bd,btpd->btp', embedding, p)                # [B,T,P]
    dist = e2 + p2 - 2.0 * dot                                    # [B,T,P]
    sim = -dist / geo_scaling                                     # geo-scaled similarity
    best_sim = jnp.max(sim, axis=-1)                              # [B,T] best proto match per cell
    best_idx = jnp.argmax(sim, axis=-1)                           # [B,T]
    cell_scores = jax.nn.softmax(best_sim / temperature, axis=-1) # [B,T]
    combined = cell_scores * candidate_probs[:, :TOPK]
    combined = combined / (jnp.sum(combined, axis=-1, keepdims=True) + 1e-9)
    guess = jnp.argmax(combined, axis=-1)                         # [B]
    chosen_cell = jnp.take_along_axis(cells, guess[:, None], axis=1)[:, 0]
    chosen_proto = jnp.take_along_axis(best_idx, guess[:, None], axis=1)[:, 0]
    preds_LLH = proto_latlon[chosen_cell, chosen_proto]           # [B,2] refined lat/lon guess
    preds_geocell = chosen_cell                                   # [B]
    return preds_LLH, combined, preds_geocell

if __name__ == "__main__":
    import jax
    _d = setup_inputs()
    print(jax.jit(kernel)(*tuple(_d.values())))

</pallas_src>

<mosaic_0001>
module attributes {stable_mosaic.version = 14 : i64} {
  func.func @_body(%arg0: i32, %arg1: memref<1024xi32, #tpu.memory_space<smem>>, %arg2: memref<1xi32, #tpu.memory_space<smem>>, %arg3: memref<256x768xf32, #tpu.memory_space<vmem>>, %arg4: memref<768x256xf32, #tpu.memory_space<vmem>>, %arg5: memref<1024x1xi32, #tpu.memory_space<vmem>>, %arg6: memref<8x256xi32, #tpu.memory_space<vmem>>, %arg7: memref<8x256xf32, #tpu.memory_space<vmem>>, %arg8: memref<64x1024xf32, #tpu.memory_space<vmem>>, %arg9: memref<1x1xf32, #tpu.memory_space<vmem>>, %arg10: memref<1x1xf32, #tpu.memory_space<vmem>>, %arg11: memref<1024x32x768xf32, #tpu.memory_space<hbm>>, %arg12: memref<2x256xf32, #tpu.memory_space<vmem>>, %arg13: memref<8x256xf32, #tpu.memory_space<vmem>>, %arg14: memref<1x256xi32, #tpu.memory_space<vmem>>, %arg15: memref<512x768xf32, #tpu.memory_space<vmem>>, %arg16: memref<512x768xf32, #tpu.memory_space<vmem>>, %arg17: memref<1024x256xf32, #tpu.memory_space<vmem>>, %arg18: memref<1024x256xi32, #tpu.memory_space<vmem>>, %arg19: memref<!tpu.dma_semaphore, #tpu.memory_space<semaphore_mem>>, %arg20: memref<!tpu.dma_semaphore, #tpu.memory_space<semaphore_mem>>) attributes {dimension_semantics = [#tpu.dimension_semantics<arbitrary>], iteration_bounds = array<i64: 1>, scalar_prefetch = 2 : i64, scratch_operands = 6 : i64, tpu.core_type = #tpu.core_type<tc>, window_params = [{pipeline_mode = #tpu.pipeline_mode<synchronous>, transform_indices = @transform_0, window_bounds = array<i64: 256, 768>}, {pipeline_mode = #tpu.pipeline_mode<synchronous>, transform_indices = @transform_1, window_bounds = array<i64: 768, 256>}, {pipeline_mode = #tpu.pipeline_mode<synchronous>, transform_indices = @transform_2, window_bounds = array<i64: 1024, 1>}, {pipeline_mode = #tpu.pipeline_mode<synchronous>, transform_indices = @transform_3, window_bounds = array<i64: 8, 256>}, {pipeline_mode = #tpu.pipeline_mode<synchronous>, transform_indices = @transform_4, window_bounds = array<i64: 8, 256>}, {pipeline_mode = #tpu.pipeline_mode<synchronous>, transform_indices = @transform_5, window_bounds = array<i64: 64, 1024>}, {pipeline_mode = #tpu.pipeline_mode<synchronous>, transform_indices = @transform_6, window_bounds = array<i64: 1, 1>}, {pipeline_mode = #tpu.pipeline_mode<synchronous>, transform_indices = @transform_7, window_bounds = array<i64: 1, 1>}, {}, {pipeline_mode = #tpu.pipeline_mode<synchronous>, transform_indices = @transform_9, window_bounds = array<i64: 2, 256>}, {pipeline_mode = #tpu.pipeline_mode<synchronous>, transform_indices = @transform_10, window_bounds = array<i64: 8, 256>}, {pipeline_mode = #tpu.pipeline_mode<synchronous>, transform_indices = @transform_11, window_bounds = array<i64: 1, 256>}]} {
    %get3A = arith.constant 0 : index
    %get3A_0 = arith.constant 0 : index
    %get3A_1 = vector.load %arg4[%get3A, %get3A_0] : memref<768x256xf32, #tpu.memory_space<vmem>>, vector<768x256xf32>
    %get3A_2 = arith.constant 0 : index
    %get3A_3 = arith.constant 0 : index
    %get3A_4 = vector.load %arg10[%get3A_2, %get3A_3] : memref<1x1xf32, #tpu.memory_space<vmem>>, vector<1x1xf32>
    %get3A_5 = vector.extract %get3A_4[0, 0] : f32 from vector<1x1xf32>
    %get3A_6 = arith.constant 0 : index
    %get3A_7 = arith.constant 0 : index
    %get3A_8 = vector.load %arg3[%get3A_6, %get3A_7] : memref<256x768xf32, #tpu.memory_space<vmem>>, vector<256x768xf32>
    %mul3A = arith.mulf %get3A_8, %get3A_8 : vector<256x768xf32>
    %reduce_sum3A = arith.constant dense<0.000000e+00> : vector<256xf32>
    %reduce_sum3A_9 = vector.multi_reduction <add>, %mul3A, %reduce_sum3A [1] : vector<256x768xf32> to vector<256xf32>
    %broadcast_in_dim3A = vector.shape_cast %reduce_sum3A_9 : vector<256xf32> to vector<256x1xf32>
    %transpose3A = tpu.transpose %broadcast_in_dim3A, [1, 0] : vector<256x1xf32> -> vector<1x256xf32>
    %iota3A = tpu.iota {dimensions = array<i32: 1>} : vector<16x32x256xi32>
    %get3A_10 = arith.constant 0 : index
    %get3A_11 = memref.load %arg2[%get3A_10] : memref<1xi32, #tpu.memory_space<smem>>
    %get3A_12 = arith.constant 0 : index
    %get3A_13 = memref.load %arg1[%get3A_12] : memref<1024xi32, #tpu.memory_space<smem>>
    %dma_start3A = arith.constant 0 : i32
    %dma_start3A_14 = arith.constant 0 : i32
    %dma_start3A_15 = tpu.memref_slice %arg15[%dma_start3A, %dma_start3A_14] : memref<512x768xf32, #tpu.memory_space<vmem>> -> memref<32x768xf32, #tpu.memory_space<vmem>>
    %dma_start3A_16 = arith.constant 0 : i32
    %dma_start3A_17 = arith.constant 0 : i32
    %dma_start3A_18 = tpu.memref_slice %arg11[%get3A_13, %dma_start3A_16, %dma_start3A_17] : memref<1024x32x768xf32, #tpu.memory_space<hbm>> -> memref<1x32x768xf32, #tpu.memory_space<hbm>>
    %dma_start3A_19 = tpu.memref_squeeze %dma_start3A_18 : memref<1x32x768xf32, #tpu.memory_space<hbm>> -> memref<32x768xf32, #tpu.memory_space<hbm>>
    tpu.enqueue_dma source(%dma_start3A_19 : memref<32x768xf32, #tpu.memory_space<hbm>>) target(%dma_start3A_15 : memref<32x768xf32, #tpu.memory_space<vmem>>) target_semaphore(%arg19 : memref<!tpu.dma_semaphore, #tpu.memory_space<semaphore_mem>>)
    %get3A_20 = arith.constant 1 : index
    %get3A_21 = memref.load %arg1[%get3A_20] : memref<1024xi32, #tpu.memory_space<smem>>
    %dma_start3A_22 = arith.constant 32 : i32
    %dma_start3A_23 = arith.constant 0 : i32
    %dma_start3A_24 = tpu.memref_slice %arg15[%dma_start3A_22, %dma_start3A_23] : memref<512x768xf32, #tpu.memory_space<vmem>> -> memref<32x768xf32, #tpu.memory_space<vmem>>
    %dma_start3A_25 = arith.constant 0 : i32
    %dma_start3A_26 = arith.constant 0 : i32
    %dma_start3A_27 = tpu.memref_slice %arg11[%get3A_21, %dma_start3A_25, %dma_start3A_26] : memref<1024x32x768xf32, #tpu.memory_space<hbm>> -> memref<1x32x768xf32, #tpu.memory_space<hbm>>
    %dma_start3A_28 = tpu.memref_squeeze %dma_start3A_27 : memref<1x32x768xf32, #tpu.memory_space<hbm>> -> memref<32x768xf32, #tpu.memory_space<hbm>>
    tpu.enqueue_dma source(%dma_start3A_28 : memref<32x768xf32, #tpu.memory_space<hbm>>) target(%dma_start3A_24 : memref<32x768xf32, #tpu.memory_space<vmem>>) target_semaphore(%arg19 : memref<!tpu.dma_semaphore, #tpu.memory_space<semaphore_mem>>)
    %get3A_29 = arith.constant 2 : index
    %get3A_30 = memref.load %arg1[%get3A_29] : memref<1024xi32, #tpu.memory_space<smem>>
    %dma_start3A_31 = arith.constant 64 : i32
    %dma_start3A_32 = arith.constant 0 : i32
    %dma_start3A_33 = tpu.memref_slice %arg15[%dma_start3A_31, %dma_start3A_32] : memref<512x768xf32, #tpu.memory_space<vmem>> -> memref<32x768xf32, #tpu.memory_space<vmem>>
    %dma_start3A_34 = arith.constant 0 : i32
    %dma_start3A_35 = arith.constant 0 : i32
    %dma_start3A_36 = tpu.memref_slice %arg11[%get3A_30, %dma_start3A_34, %dma_start3A_35] : memref<1024x32x768xf32, #tpu.memory_space<hbm>> -> memref<1x32x768xf32, #tpu.memory_space<hbm>>
    %dma_start3A_37 = tpu.memref_squeeze %dma_start3A_36 : memref<1x32x768xf32, #tpu.memory_space<hbm>> -> memref<32x768xf32, #tpu.memory_space<hbm>>
    tpu.enqueue_dma source(%dma_start3A_37 : memref<32x768xf32, #tpu.memory_space<hbm>>) target(%dma_start3A_33 : memref<32x768xf32, #tpu.memory_space<vmem>>) target_semaphore(%arg19 : memref<!tpu.dma_semaphore, #tpu.memory_space<semaphore_mem>>)
    %get3A_38 = arith.constant 3 : index
    %get3A_39 = memref.load %arg1[%get3A_38] : memref<1024xi32, #tpu.memory_space<smem>>
    %dma_start3A_40 = arith.constant 96 : i32
    %dma_start3A_41 = arith.constant 0 : i32
    %dma_start3A_42 = tpu.memref_slice %arg15[%dma_start3A_40, %dma_start3A_41] : memref<512x768xf32, #tpu.memory_space<vmem>> -> memref<32x768xf32, #tpu.memory_space<vmem>>
    %dma_start3A_43 = arith.constant 0 : i32
    %dma_start3A_44 = arith.constant 0 : i32
    %dma_start3A_45 = tpu.memref_slice %arg11[%get3A_39, %dma_start3A_43, %dma_start3A_44] : memref<1024x32x768xf32, #tpu.memory_space<hbm>> -> memref<1x32x768xf32, #tpu.memory_space<hbm>>
    %dma_start3A_46 = tpu.memref_squeeze %dma_start3A_45 : memref<1x32x768xf32, #tpu.memory_space<hbm>> -> memref<32x768xf32, #tpu.memory_space<hbm>>
    tpu.enqueue_dma source(%dma_start3A_46 : memref<32x768xf32, #tpu.memory_space<hbm>>) target(%dma_start3A_42 : memref<32x768xf32, #tpu.memory_space<vmem>>) target_semaphore(%arg19 : memref<!tpu.dma_semaphore, #tpu.memory_space<semaphore_mem>>)
    %get3A_47 = arith.constant 4 : index
    %get3A_48 = memref.load %arg1[%get3A_47] : memref<1024xi32, #tpu.memory_space<smem>>
    %dma_start3A_49 = arith.constant 128 : i32
    %dma_start3A_50 = arith.constant 0 : i32
    %dma_start3A_51 = tpu.memref_slice %arg15[%dma_start3A_49, %dma_start3A_50] : memref<512x768xf32, #tpu.memory_space<vmem>> -> memref<32x768xf32, #tpu.memory_space<vmem>>
    %dma_start3A_52 = arith.constant 0 : i32
    %dma_start3A_53 = arith.constant 0 : i32
    %dma_start3A_54 = tpu.memref_slice %arg11[%get3A_48, %dma_start3A_52, %dma_start3A_53] : memref<1024x32x768xf32, #tpu.memory_space<hbm>> -> memref<1x32x768xf32, #tpu.memory_space<hbm>>
    %dma_start3A_55 = tpu.memref_squeeze %dma_start3A_54 : memref<1x32x768xf32, #tpu.memory_space<hbm>> -> memref<32x768xf32, #tpu.memory_space<hbm>>
    tpu.enqueue_dma source(%dma_start3A_55 : memref<32x768xf32, #tpu.memory_space<hbm>>) target(%dma_start3A_51 : memref<32x768xf32, #tpu.memory_space<vmem>>) target_semaphore(%arg19 : memref<!tpu.dma_semaphore, #tpu.memory_space<semaphore_mem>>)
    %get3A_56 = arith.constant 5 : index
    %get3A_57 = memref.load %arg1[%get3A_56] : memref<1024xi32, #tpu.memory_space<smem>>
    %dma_start3A_58 = arith.constant 160 : i32
    %dma_start3A_59 = arith.constant 0 : i32
    %dma_start3A_60 = tpu.memref_slice %arg15[%dma_start3A_58, %dma_start3A_59] : memref<512x768xf32, #tpu.memory_space<vmem>> -> memref<32x768xf32, #tpu.memory_space<vmem>>
    %dma_start3A_61 = arith.constant 0 : i32
    %dma_start3A_62 = arith.constant 0 : i32
    %dma_start3A_63 = tpu.memref_slice %arg11[%get3A_57, %dma_start3A_61, %dma_start3A_62] : memref<1024x32x768xf32, #tpu.memory_space<hbm>> -> memref<1x32x768xf32, #tpu.memory_space<hbm>>
    %dma_start3A_64 = tpu.memref_squeeze %dma_start3A_63 : memref<1x32x768xf32, #tpu.memory_space<hbm>> -> memref<32x768xf32, #tpu.memory_space<hbm>>
    tpu.enqueue_dma source(%dma_start3A_64 : memref<32x768xf32, #tpu.memory_space<hbm>>) target(%dma_start3A_60 : memref<32x768xf32, #tpu.memory_space<vmem>>) target_semaphore(%arg19 : memref<!tpu.dma_semaphore, #tpu.memory_space<semaphore_mem>>)
    %get3A_65 = arith.constant 6 : index
    %get3A_66 = memref.load %arg1[%get3A_65] : memref<1024xi32, #tpu.memory_space<smem>>
    %dma_start3A_67 = arith.constant 192 : i32
    %dma_start3A_68 = arith.constant 0 : i32
    %dma_start3A_69 = tpu.memref_slice %arg15[%dma_start3A_67, %dma_start3A_68] : memref<512x768xf32, #tpu.memory_space<vmem>> -> memref<32x768xf32, #tpu.memory_space<vmem>>
    %dma_start3A_70 = arith.constant 0 : i32
    %dma_start3A_71 = arith.constant 0 : i32
    %dma_start3A_72 = tpu.memref_slice %arg11[%get3A_66, %dma_start3A_70, %dma_start3A_71] : memref<1024x32x768xf32, #tpu.memory_space<hbm>> -> memref<1x32x768xf32, #tpu.memory_space<hbm>>
    %dma_start3A_73 = tpu.memref_squeeze %dma_start3A_72 : memref<1x32x768xf32, #tpu.memory_space<hbm>> -> memref<32x768xf32, #tpu.memory_space<hbm>>
    tpu.enqueue_dma source(%dma_start3A_73 : memref<32x768xf32, #tpu.memory_space<hbm>>) target(%dma_start3A_69 : memref<32x768xf32, #tpu.memory_space<vmem>>) target_semaphore(%arg19 : memref<!tpu.dma_semaphore, #tpu.memory_space<semaphore_mem>>)
    %get3A_74 = arith.constant 7 : index
    %get3A_75 = memref.load %arg1[%get3A_74] : memref<1024xi32, #tpu.memory_space<smem>>
    %dma_start3A_76 = arith.constant 224 : i32
    %dma_start3A_77 = arith.constant 0 : i32
    %dma_start3A_78 = tpu.memref_slice %arg15[%dma_start3A_76, %dma_start3A_77] : memref<512x768xf32, #tpu.memory_space<vmem>> -> memref<32x768xf32, #tpu.memory_space<vmem>>
    %dma_start3A_79 = arith.constant 0 : i32
    %dma_start3A_80 = arith.constant 0 : i32
    %dma_start3A_81 = tpu.memref_slice %arg11[%get3A_75, %dma_start3A_79, %dma_start3A_80] : memref<1024x32x768xf32, #tpu.memory_space<hbm>> -> memref<1x32x768xf32, #tpu.memory_space<hbm>>
    %dma_start3A_82 = tpu.memref_squeeze %dma_start3A_81 : memref<1x32x768xf32, #tpu.memory_space<hbm>> -> memref<32x768xf32, #tpu.memory_space<hbm>>
    tpu.enqueue_dma source(%dma_start3A_82 : memref<32x768xf32, #tpu.memory_space<hbm>>) target(%dma_start3A_78 : memref<32x768xf32, #tpu.memory_space<vmem>>) target_semaphore(%arg19 : memref<!tpu.dma_semaphore, #tpu.memory_space<semaphore_mem>>)
    %get3A_83 = arith.constant 8 : index
    %get3A_84 = memref.load %arg1[%get3A_83] : memref<1024xi32, #tpu.memory_space<smem>>
    %dma_start3A_85 = arith.constant 256 : i32
    %dma_start3A_86 = arith.constant 0 : i32
    %dma_start3A_87 = tpu.memref_slice %arg15[%dma_start3A_85, %dma_start3A_86] : memref<512x768xf32, #tpu.memory_space<vmem>> -> memref<32x768xf32, #tpu.memory_space<vmem>>
    %dma_start3A_88 = arith.constant 0 : i32
    %dma_start3A_89 = arith.constant 0 : i32
    %dma_start3A_90 = tpu.memref_slice %arg11[%get3A_84, %dma_start3A_88, %dma_start3A_89] : memref<1024x32x768xf32, #tpu.memory_space<hbm>> -> memref<1x32x768xf32, #tpu.memory_space<hbm>>
    %dma_start3A_91 = tpu.memref_squeeze %dma_start3A_90 : memref<1x32x768xf32, #tpu.memory_space<hbm>> -> memref<32x768xf32, #tpu.memory_space<hbm>>
    tpu.enqueue_dma source(%dma_start3A_91 : memref<32x768xf32, #tpu.memory_space<hbm>>) target(%dma_start3A_87 : memref<32x768xf32, #tpu.memory_space<vmem>>) target_semaphore(%arg19 : memref<!tpu.dma_semaphore, #tpu.memory_space<semaphore_mem>>)
    %get3A_92 = arith.constant 9 : index
    %get3A_93 = memref.load %arg1[%get3A_92] : memref<1024xi32, #tpu.memory_space<smem>>
    %dma_start3A_94 = arith.constant 288 : i32
    %dma_start3A_95 = arith.constant 0 : i32
    %dma_start3A_96 = tpu.memref_slice %arg15[%dma_start3A_94, %dma_start3A_95] : memref<512x768xf32, #tpu.memory_space<vmem>> -> memref<32x768xf32, #tpu.memory_space<vmem>>
    %dma_start3A_97 = arith.constant 0 : i32
    %dma_start3A_98 = arith.constant 0 : i32
    %dma_start3A_99 = tpu.memref_slice %arg11[%get3A_93, %dma_start3A_97, %dma_start3A_98] : memref<1024x32x768xf32, #tpu.memory_space<hbm>> -> memref<1x32x768xf32, #tpu.memory_space<hbm>>
    %dma_start3A_100 = tpu.memref_squeeze %dma_start3A_99 : memref<1x32x768xf32, #tpu.memory_space<hbm>> -> memref<32x768xf32, #tpu.memory_space<hbm>>
    tpu.enqueue_dma source(%dma_start3A_100 : memref<32x768xf32, #tpu.memory_space<hbm>>) target(%dma_start3A_96 : memref<32x768xf32, #tpu.memory_space<vmem>>) target_semaphore(%arg19 : memref<!tpu.dma_semaphore, #tpu.memory_space<semaphore_mem>>)
    %get3A_101 = arith.constant 10 : index
    %get3A_102 = memref.load %arg1[%get3A_101] : memref<1024xi32, #tpu.memory_space<smem>>
    %dma_start3A_103 = arith.constant 320 : i32
    %dma_start3A_104 = arith.constant 0 : i32
    %dma_start3A_105 = tpu.memref_slice %arg15[%dma_start3A_103, %dma_start3A_104] : memref<512x768xf32, #tpu.memory_space<vmem>> -> memref<32x768xf32, #tpu.memory_space<vmem>>
    %dma_start3A_106 = arith.constant 0 : i32
    %dma_start3A_107 = arith.constant 0 : i32
    %dma_start3A_108 = tpu.memref_slice %arg11[%get3A_102, %dma_start3A_106, %dma_start3A_107] : memref<1024x32x768xf32, #tpu.memory_space<hbm>> -> memref<1x32x768xf32, #tpu.memory_space<hbm>>
    %dma_start3A_109 = tpu.memref_squeeze %dma_start3A_108 : memref<1x32x768xf32, #tpu.memory_space<hbm>> -> memref<32x768xf32, #tpu.memory_space<hbm>>
    tpu.enqueue_dma source(%dma_start3A_109 : memref<32x768xf32, #tpu.memory_space<hbm>>) target(%dma_start3A_105 : memref<32x768xf32, #tpu.memory_space<vmem>>) target_semaphore(%arg19 : memref<!tpu.dma_semaphore, #tpu.memory_space<semaphore_mem>>)
    %get3A_110 = arith.constant 11 : index
    %get3A_111 = memref.load %arg1[%get3A_110] : memref<1024xi32, #tpu.memory_space<smem>>
    %dma_start3A_112 = arith.constant 352 : i32
    %dma_start3A_113 = arith.constant 0 : i32
    %dma_start3A_114 = tpu.memref_slice %arg15[%dma_start3A_112, %dma_start3A_113] : memref<512x768xf32, #tpu.memory_space<vmem>> -> memref<32x768xf32, #tpu.memory_space<vmem>>
    %dma_start3A_115 = arith.constant 0 : i32
    %dma_start3A_116 = arith.constant 0 : i32
    %dma_start3A_117 = tpu.memref_slice %arg11[%get3A_111, %dma_start3A_115, %dma_start3A_116] : memref<1024x32x768xf32, #tpu.memory_space<hbm>> -> memref<1x32x768xf32, #tpu.memory_space<hbm>>
    %dma_start3A_118 = tpu.memref_squeeze %dma_start3A_117 : memref<1x32x768xf32, #tpu.memory_space<hbm>> -> memref<32x768xf32, #tpu.memory_space<hbm>>
    tpu.enqueue_dma source(%dma_start3A_118 : memref<32x768xf32, #tpu.memory_space<hbm>>) target(%dma_start3A_114 : memref<32x768xf32, #tpu.memory_space<vmem>>) target_semaphore(%arg19 : memref<!tpu.dma_semaphore, #tpu.memory_space<semaphore_mem>>)
    %get3A_119 = arith.constant 12 : index
    %get3A_120 = memref.load %arg1[%get3A_119] : memref<1024xi32, #tpu.memory_space<smem>>
    %dma_start3A_121 = arith.constant 384 : i32
    %dma_start3A_122 = arith.constant 0 : i32
    %dma_start3A_123 = tpu.memref_slice %arg15[%dma_start3A_121, %dma_start3A_122] : memref<512x768xf32, #tpu.memory_space<vmem>> -> memref<32x768xf32, #tpu.memory_space<vmem>>
    %dma_start3A_124 = arith.constant 0 : i32
    %dma_start3A_125 = arith.constant 0 : i32
    %dma_start3A_126 = tpu.memref_slice %arg11[%get3A_120, %dma_start3A_124, %dma_start3A_125] : memref<1024x32x768xf32, #tpu.memory_space<hbm>> -> memref<1x32x768xf32, #tpu.memory_space<hbm>>
    %dma_start3A_127 = tpu.memref_squeeze %dma_start3A_126 : memref<1x32x768xf32, #tpu.memory_space<hbm>> -> memref<32x768xf32, #tpu.memory_space<hbm>>
    tpu.enqueue_dma source(%dma_start3A_127 : memref<32x768xf32, #tpu.memory_space<hbm>>) target(%dma_start3A_123 : memref<32x768xf32, #tpu.memory_space<vmem>>) target_semaphore(%arg19 : memref<!tpu.dma_semaphore, #tpu.memory_space<semaphore_mem>>)
    %get3A_128 = arith.constant 13 : index
    %get3A_129 = memref.load %arg1[%get3A_128] : memref<1024xi32, #tpu.memory_space<smem>>
    %dma_start3A_130 = arith.constant 416 : i32
    %dma_start3A_131 = arith.constant 0 : i32
    %dma_start3A_132 = tpu.memref_slice %arg15[%dma_start3A_130, %dma_start3A_131] : memref<512x768xf32, #tpu.memory_space<vmem>> -> memref<32x768xf32, #tpu.memory_space<vmem>>
    %dma_start3A_133 = arith.constant 0 : i32
    %dma_start3A_134 = arith.constant 0 : i32
    %dma_start3A_135 = tpu.memref_slice %arg11[%get3A_129, %dma_start3A_133, %dma_start3A_134] : memref<1024x32x768xf32, #tpu.memory_space<hbm>> -> memref<1x32x768xf32, #tpu.memory_space<hbm>>
    %dma_start3A_136 = tpu.memref_squeeze %dma_start3A_135 : memref<1x32x768xf32, #tpu.memory_space<hbm>> -> memref<32x768xf32, #tpu.memory_space<hbm>>
    tpu.enqueue_dma source(%dma_start3A_136 : memref<32x768xf32, #tpu.memory_space<hbm>>) target(%dma_start3A_132 : memref<32x768xf32, #tpu.memory_space<vmem>>) target_semaphore(%arg19 : memref<!tpu.dma_semaphore, #tpu.memory_space<semaphore_mem>>)
    %get3A_137 = arith.constant 14 : index
    %get3A_138 = memref.load %arg1[%get3A_137] : memref<1024xi32, #tpu.memory_space<smem>>
    %dma_start3A_139 = arith.constant 448 : i32
    %dma_start3A_140 = arith.constant 0 : i32
    %dma_start3A_141 = tpu.memref_slice %arg15[%dma_start3A_139, %dma_start3A_140] : memref<512x768xf32, #tpu.memory_space<vmem>> -> memref<32x768xf32, #tpu.memory_space<vmem>>
    %dma_start3A_142 = arith.constant 0 : i32
    %dma_start3A_143 = arith.constant 0 : i32
    %dma_start3A_144 = tpu.memref_slice %arg11[%get3A_138, %dma_start3A_142, %dma_start3A_143] : memref<1024x32x768xf32, #tpu.memory_space<hbm>> -> memref<1x32x768xf32, #tpu.memory_space<hbm>>
    %dma_start3A_145 = tpu.memref_squeeze %dma_start3A_144 : memref<1x32x768xf32, #tpu.memory_space<hbm>> -> memref<32x768xf32, #tpu.memory_space<hbm>>
    tpu.enqueue_dma source(%dma_start3A_145 : memref<32x768xf32, #tpu.memory_space<hbm>>) target(%dma_start3A_141 : memref<32x768xf32, #tpu.memory_space<vmem>>) target_semaphore(%arg19 : memref<!tpu.dma_semaphore, #tpu.memory_space<semaphore_mem>>)
    %get3A_146 = arith.constant 15 : index
    %get3A_147 = memref.load %arg1[%get3A_146] : memref<1024xi32, #tpu.memory_space<smem>>
    %dma_start3A_148 = arith.constant 480 : i32
    %dma_start3A_149 = arith.constant 0 : i32
    %dma_start3A_150 = tpu.memref_slice %arg15[%dma_start3A_148, %dma_start3A_149] : memref<512x768xf32, #tpu.memory_space<vmem>> -> memref<32x768xf32, #tpu.memory_space<vmem>>
    %dma_start3A_151 = arith.constant 0 : i32
    %dma_start3A_152 = arith.constant 0 : i32
    %dma_start3A_153 = tpu.memref_slice %arg11[%get3A_147, %dma_start3A_151, %dma_start3A_152] : memref<1024x32x768xf32, #tpu.memory_space<hbm>> -> memref<1x32x768xf32, #tpu.memory_space<hbm>>
    %dma_start3A_154 = tpu.memref_squeeze %dma_start3A_153 : memref<1x32x768xf32, #tpu.memory_space<hbm>> -> memref<32x768xf32, #tpu.memory_space<hbm>>
    tpu.enqueue_dma source(%dma_start3A_154 : memref<32x768xf32, #tpu.memory_space<hbm>>) target(%dma_start3A_150 : memref<32x768xf32, #tpu.memory_space<vmem>>) target_semaphore(%arg19 : memref<!tpu.dma_semaphore, #tpu.memory_space<semaphore_mem>>)
    %while3A = arith.constant 0 : i32
    %while3A_155 = arith.constant 0 : i32
    %while3A_156 = arith.subi %get3A_11, %while3A_155 : i32
    %while3A_157 = arith.addi %while3A_155, %while3A_156 : i32
    %while3A_158 = arith.constant 1 : i32
    %while3A_159 = arith.divsi %while3A_156, %while3A_158 : i32
    %while3A_160 = arith.muli %while3A_159, %while3A_158 : i32
    %while3A_161 = arith.addi %while3A_155, %while3A_160 : i32
    %while3A_162 = arith.constant 1 : i32
    scf.for %while3A_394 = %while3A_155 to %while3A_161 step %while3A_162  : i32 {
      %rem3A = arith.constant 2 : i32
      %rem3A_395 = arith.remsi %while3A_394, %rem3A : i32
      %eq3A_396 = arith.constant 0 : i32
      %eq3A_397 = arith.cmpi eq, %rem3A_395, %eq3A_396 : i32
      %add3A_398 = arith.constant 1 : i32
      %add3A_399 = arith.addi %while3A_394, %add3A_398 : i32
      %lt3A = arith.cmpi slt, %add3A_399, %get3A_11 : i32
      %and3A = arith.andi %lt3A, %eq3A_397 : i1
      %convert_element_type3A_400 = arith.extui %and3A : i1 to i32
      %cond3A = arith.constant 0 : i32
      %cond3A_401 = arith.cmpi ne, %convert_element_type3A_400, %cond3A : i32
      scf.if %cond3A_401 {
        %add3A_426 = arith.constant 1 : i32
        %add3A_427 = arith.addi %while3A_394, %add3A_426 : i32
        %mul3A_428 = arith.constant 16 : i32
        %mul3A_429 = arith.muli %add3A_427, %mul3A_428 : i32
        %add3A_430 = arith.constant 0 : i32
        %add3A_431 = arith.addi %mul3A_429, %add3A_430 : i32
        %get3A_432 = arith.index_cast %add3A_431 : i32 to index
        %get3A_433 = memref.load %arg1[%get3A_432] : memref<1024xi32, #tpu.memory_space<smem>>
        %dma_start3A_434 = arith.constant 0 : i32
        %dma_start3A_435 = arith.constant 0 : i32
        %dma_start3A_436 = tpu.memref_slice %arg16[%dma_start3A_434, %dma_start3A_435] : memref<512x768xf32, #tpu.memory_space<vmem>> -> memref<32x768xf32, #tpu.memory_space<vmem>>
        %dma_start3A_437 = arith.constant 0 : i32
        %dma_start3A_438 = arith.constant 0 : i32
        %dma_start3A_439 = tpu.memref_slice %arg11[%get3A_433, %dma_start3A_437, %dma_start3A_438] : memref<1024x32x768xf32, #tpu.memory_space<hbm>> -> memref<1x32x768xf32, #tpu.memory_space<hbm>>
        %dma_start3A_440 = tpu.memref_squeeze %dma_start3A_439 : memref<1x32x768xf32, #tpu.memory_space<hbm>> -> memref<32x768xf32, #tpu.memory_space<hbm>>
        tpu.enqueue_dma source(%dma_start3A_440 : memref<32x768xf32, #tpu.memory_space<hbm>>) target(%dma_start3A_436 : memref<32x768xf32, #tpu.memory_space<vmem>>) target_semaphore(%arg20 : memref<!tpu.dma_semaphore, #tpu.memory_space<semaphore_mem>>)
        %mul3A_441 = arith.constant 16 : i32
        %mul3A_442 = arith.muli %add3A_427, %mul3A_441 : i32
        %add3A_443 = arith.constant 1 : i32
        %add3A_444 = arith.addi %mul3A_442, %add3A_443 : i32
        %get3A_445 = arith.index_cast %add3A_444 : i32 to index
        %get3A_446 = memref.load %arg1[%get3A_445] : memref<1024xi32, #tpu.memory_space<smem>>
        %dma_start3A_447 = arith.constant 32 : i32
        %dma_start3A_448 = arith.constant 0 : i32
        %dma_start3A_449 = tpu.memref_slice %arg16[%dma_start3A_447, %dma_start3A_448] : memref<512x768xf32, #tpu.memory_space<vmem>> -> memref<32x768xf32, #tpu.memory_space<vmem>>
        %dma_start3A_450 = arith.constant 0 : i32
        %dma_start3A_451 = arith.constant 0 : i32
        %dma_start3A_452 = tpu.memref_slice %arg11[%get3A_446, %dma_start3A_450, %dma_start3A_451] : memref<1024x32x768xf32, #tpu.memory_space<hbm>> -> memref<1x32x768xf32, #tpu.memory_space<hbm>>
        %dma_start3A_453 = tpu.memref_squeeze %dma_start3A_452 : memref<1x32x768xf32, #tpu.memory_space<hbm>> -> memref<32x768xf32, #tpu.memory_space<hbm>>
        tpu.enqueue_dma source(%dma_start3A_453 : memref<32x768xf32, #tpu.memory_space<hbm>>) target(%dma_start3A_449 : memref<32x768xf32, #tpu.memory_space<vmem>>) target_semaphore(%arg20 : memref<!tpu.dma_semaphore, #tpu.memory_space<semaphore_mem>>)
        %mul3A_454 = arith.constant 16 : i32
        %mul3A_455 = arith.muli %add3A_427, %mul3A_454 : i32
        %add3A_456 = arith.constant 2 : i32
        %add3A_457 = arith.addi %mul3A_455, %add3A_456 : i32
        %get3A_458 = arith.index_cast %add3A_457 : i32 to index
        %get3A_459 = memref.load %arg1[%get3A_458] : memref<1024xi32, #tpu.memory_space<smem>>
        %dma_start3A_460 = arith.constant 64 : i32
        %dma_start3A_461 = arith.constant 0 : i32
        %dma_start3A_462 = tpu.memref_slice %arg16[%dma_start3A_460, %dma_start3A_461] : memref<512x768xf32, #tpu.memory_space<vmem>> -> memref<32x768xf32, #tpu.memory_space<vmem>>
        %dma_start3A_463 = arith.constant 0 : i32
        %dma_start3A_464 = arith.constant 0 : i32
        %dma_start3A_465 = tpu.memref_slice %arg11[%get3A_459, %dma_start3A_463, %dma_start3A_464] : memref<1024x32x768xf32, #tpu.memory_space<hbm>> -> memref<1x32x768xf32, #tpu.memory_space<hbm>>
        %dma_start3A_466 = tpu.memref_squeeze %dma_start3A_465 : memref<1x32x768xf32, #tpu.memory_space<hbm>> -> memref<32x768xf32, #tpu.memory_space<hbm>>
        tpu.enqueue_dma source(%dma_start3A_466 : memref<32x768xf32, #tpu.memory_space<hbm>>) target(%dma_start3A_462 : memref<32x768xf32, #tpu.memory_space<vmem>>) target_semaphore(%arg20 : memref<!tpu.dma_semaphore, #tpu.memory_space<semaphore_mem>>)
        %mul3A_467 = arith.constant 16 : i32
        %mul3A_468 = arith.muli %add3A_427, %mul3A_467 : i32
        %add3A_469 = arith.constant 3 : i32
        %add3A_470 = arith.addi %mul3A_468, %add3A_469 : i32
        %get3A_471 = arith.index_cast %add3A_470 : i32 to index
        %get3A_472 = memref.load %arg1[%get3A_471] : memref<1024xi32, #tpu.memory_space<smem>>
        %dma_start3A_473 = arith.constant 96 : i32
        %dma_start3A_474 = arith.constant 0 : i32
        %dma_start3A_475 = tpu.memref_slice %arg16[%dma_start3A_473, %dma_start3A_474] : memref<512x768xf32, #tpu.memory_space<vmem>> -> memref<32x768xf32, #tpu.memory_space<vmem>>
        %dma_start3A_476 = arith.constant 0 : i32
        %dma_start3A_477 = arith.constant 0 : i32
        %dma_start3A_478 = tpu.memref_slice %arg11[%get3A_472, %dma_start3A_476, %dma_start3A_477] : memref<1024x32x768xf32, #tpu.memory_space<hbm>> -> memref<1x32x768xf32, #tpu.memory_space<hbm>>
        %dma_start3A_479 = tpu.memref_squeeze %dma_start3A_478 : memref<1x32x768xf32, #tpu.memory_space<hbm>> -> memref<32x768xf32, #tpu.memory_space<hbm>>
        tpu.enqueue_dma source(%dma_start3A_479 : memref<32x768xf32, #tpu.memory_space<hbm>>) target(%dma_start3A_475 : memref<32x768xf32, #tpu.memory_space<vmem>>) target_semaphore(%arg20 : memref<!tpu.dma_semaphore, #tpu.memory_space<semaphore_mem>>)
        %mul3A_480 = arith.constant 16 : i32
        %mul3A_481 = arith.muli %add3A_427, %mul3A_480 : i32
        %add3A_482 = arith.constant 4 : i32
        %add3A_483 = arith.addi %mul3A_481, %add3A_482 : i32
        %get3A_484 = arith.index_cast %add3A_483 : i32 to index
        %get3A_485 = memref.load %arg1[%get3A_484] : memref<1024xi32, #tpu.memory_space<smem>>
        %dma_start3A_486 = arith.constant 128 : i32
        %dma_start3A_487 = arith.constant 0 : i32
        %dma_start3A_488 = tpu.memref_slice %arg16[%dma_start3A_486, %dma_start3A_487] : memref<512x768xf32, #tpu.memory_space<vmem>> -> memref<32x768xf32, #tpu.memory_space<vmem>>
        %dma_start3A_489 = arith.constant 0 : i32
        %dma_start3A_490 = arith.constant 0 : i32
        %dma_start3A_491 = tpu.memref_slice %arg11[%get3A_485, %dma_start3A_489, %dma_start3A_490] : memref<1024x32x768xf32, #tpu.memory_space<hbm>> -> memref<1x32x768xf32, #tpu.memory_space<hbm>>
        %dma_start3A_492 = tpu.memref_squeeze %dma_start3A_491 : memref<1x32x768xf32, #tpu.memory_space<hbm>> -> memref<32x768xf32, #tpu.memory_space<hbm>>
        tpu.enqueue_dma source(%dma_start3A_492 : memref<32x768xf32, #tpu.memory_space<hbm>>) target(%dma_start3A_488 : memref<32x768xf32, #tpu.memory_space<vmem>>) target_semaphore(%arg20 : memref<!tpu.dma_semaphore, #tpu.memory_space<semaphore_mem>>)
        %mul3A_493 = arith.constant 16 : i32
        %mul3A_494 = arith.muli %add3A_427, %mul3A_493 : i32
        %add3A_495 = arith.constant 5 : i32
        %add3A_496 = arith.addi %mul3A_494, %add3A_495 : i32
        %get3A_497 = arith.index_cast %add3A_496 : i32 to index
        %get3A_498 = memref.load %arg1[%get3A_497] : memref<1024xi32, #tpu.memory_space<smem>>
        %dma_start3A_499 = arith.constant 160 : i32
        %dma_start3A_500 = arith.constant 0 : i32
        %dma_start3A_501 = tpu.memref_slice %arg16[%dma_start3A_499, %dma_start3A_500] : memref<512x768xf32, #tpu.memory_space<vmem>> -> memref<32x768xf32, #tpu.memory_space<vmem>>
        %dma_start3A_502 = arith.constant 0 : i32
        %dma_start3A_503 = arith.constant 0 : i32
        %dma_start3A_504 = tpu.memref_slice %arg11[%get3A_498, %dma_start3A_502, %dma_start3A_503] : memref<1024x32x768xf32, #tpu.memory_space<hbm>> -> memref<1x32x768xf32, #tpu.memory_space<hbm>>
        %dma_start3A_505 = tpu.memref_squeeze %dma_start3A_504 : memref<1x32x768xf32, #tpu.memory_space<hbm>> -> memref<32x768xf32, #tpu.memory_space<hbm>>
        tpu.enqueue_dma source(%dma_start3A_505 : memref<32x768xf32, #tpu.memory_space<hbm>>) target(%dma_start3A_501 : memref<32x768xf32, #tpu.memory_space<vmem>>) target_semaphore(%arg20 : memref<!tpu.dma_semaphore, #tpu.memory_space<semaphore_mem>>)
        %mul3A_506 = arith.constant 16 : i32
        %mul3A_507 = arith.muli %add3A_427, %mul3A_506 : i32
        %add3A_508 = arith.constant 6 : i32
        %add3A_509 = arith.addi %mul3A_507, %add3A_508 : i32
        %get3A_510 = arith.index_cast %add3A_509 : i32 to index
        %get3A_511 = memref.load %arg1[%get3A_510] : memref<1024xi32, #tpu.memory_space<smem>>
        %dma_start3A_512 = arith.constant 192 : i32
        %dma_start3A_513 = arith.constant 0 : i32
        %dma_start3A_514 = tpu.memref_slice %arg16[%dma_start3A_512, %dma_start3A_513] : memref<512x768xf32, #tpu.memory_space<vmem>> -> memref<32x768xf32, #tpu.memory_space<vmem>>
        %dma_start3A_515 = arith.constant 0 : i32
        %dma_start3A_516 = arith.constant 0 : i32
        %dma_start3A_517 = tpu.memref_slice %arg11[%get3A_511, %dma_start3A_515, %dma_start3A_516] : memref<1024x32x768xf32, #tpu.memory_space<hbm>> -> memref<1x32x768xf32, #tpu.memory_space<hbm>>
        %dma_start3A_518 = tpu.memref_squeeze %dma_start3A_517 : memref<1x32x768xf32, #tpu.memory_space<hbm>> -> memref<32x768xf32, #tpu.memory_space<hbm>>
        tpu.enqueue_dma source(%dma_start3A_518 : memref<32x768xf32, #tpu.memory_space<hbm>>) target(%dma_start3A_514 : memref<32x768xf32, #tpu.memory_space<vmem>>) target_semaphore(%arg20 : memref<!tpu.dma_semaphore, #tpu.memory_space<semaphore_mem>>)
        %mul3A_519 = arith.constant 16 : i32
        %mul3A_520 = arith.muli %add3A_427, %mul3A_519 : i32
        %add3A_521 = arith.constant 7 : i32
        %add3A_522 = arith.addi %mul3A_520, %add3A_521 : i32
        %get3A_523 = arith.index_cast %add3A_522 : i32 to index
        %get3A_524 = memref.load %arg1[%get3A_523] : memref<1024xi32, #tpu.memory_space<smem>>
        %dma_start3A_525 = arith.constant 224 : i32
        %dma_start3A_526 = arith.constant 0 : i32
        %dma_start3A_527 = tpu.memref_slice %arg16[%dma_start3A_525, %dma_start3A_526] : memref<512x768xf32, #tpu.memory_space<vmem>> -> memref<32x768xf32, #tpu.memory_space<vmem>>
        %dma_start3A_528 = arith.constant 0 : i32
        %dma_start3A_529 = arith.constant 0 : i32
        %dma_start3A_530 = tpu.memref_slice %arg11[%get3A_524, %dma_start3A_528, %dma_start3A_529] : memref<1024x32x768xf32, #tpu.memory_space<hbm>> -> memref<1x32x768xf32, #tpu.memory_space<hbm>>
        %dma_start3A_531 = tpu.memref_squeeze %dma_start3A_530 : memref<1x32x768xf32, #tpu.memory_space<hbm>> -> memref<32x768xf32, #tpu.memory_space<hbm>>
        tpu.enqueue_dma source(%dma_start3A_531 : memref<32x768xf32, #tpu.memory_space<hbm>>) target(%dma_start3A_527 : memref<32x768xf32, #tpu.memory_space<vmem>>) target_semaphore(%arg20 : memref<!tpu.dma_semaphore, #tpu.memory_space<semaphore_mem>>)
        %mul3A_532 = arith.constant 16 : i32
        %mul3A_533 = arith.muli %add3A_427, %mul3A_532 : i32
        %add3A_534 = arith.constant 8 : i32
        %add3A_535 = arith.addi %mul3A_533, %add3A_534 : i32
        %get3A_536 = arith.index_cast %add3A_535 : i32 to index
        %get3A_537 = memref.load %arg1[%get3A_536] : memref<1024xi32, #tpu.memory_space<smem>>
        %dma_start3A_538 = arith.constant 256 : i32
        %dma_start3A_539 = arith.constant 0 : i32
        %dma_start3A_540 = tpu.memref_slice %arg16[%dma_start3A_538, %dma_start3A_539] : memref<512x768xf32, #tpu.memory_space<vmem>> -> memref<32x768xf32, #tpu.memory_space<vmem>>
        %dma_start3A_541 = arith.constant 0 : i32
        %dma_start3A_542 = arith.constant 0 : i32
        %dma_start3A_543 = tpu.memref_slice %arg11[%get3A_537, %dma_start3A_541, %dma_start3A_542] : memref<1024x32x768xf32, #tpu.memory_space<hbm>> -> memref<1x32x768xf32, #tpu.memory_space<hbm>>
        %dma_start3A_544 = tpu.memref_squeeze %dma_start3A_543 : memref<1x32x768xf32, #tpu.memory_space<hbm>> -> memref<32x768xf32, #tpu.memory_space<hbm>>
        tpu.enqueue_dma source(%dma_start3A_544 : memref<32x768xf32, #tpu.memory_space<hbm>>) target(%dma_start3A_540 : memref<32x768xf32, #tpu.memory_space<vmem>>) target_semaphore(%arg20 : memref<!tpu.dma_semaphore, #tpu.memory_space<semaphore_mem>>)
        %mul3A_545 = arith.constant 16 : i32
        %mul3A_546 = arith.muli %add3A_427, %mul3A_545 : i32
        %add3A_547 = arith.constant 9 : i32
        %add3A_548 = arith.addi %mul3A_546, %add3A_547 : i32
        %get3A_549 = arith.index_cast %add3A_548 : i32 to index
        %get3A_550 = memref.load %arg1[%get3A_549] : memref<1024xi32, #tpu.memory_space<smem>>
        %dma_start3A_551 = arith.constant 288 : i32
        %dma_start3A_552 = arith.constant 0 : i32
        %dma_start3A_553 = tpu.memref_slice %arg16[%dma_start3A_551, %dma_start3A_552] : memref<512x768xf32, #tpu.memory_space<vmem>> -> memref<32x768xf32, #tpu.memory_space<vmem>>
        %dma_start3A_554 = arith.constant 0 : i32
        %dma_start3A_555 = arith.constant 0 : i32
        %dma_start3A_556 = tpu.memref_slice %arg11[%get3A_550, %dma_start3A_554, %dma_start3A_555] : memref<1024x32x768xf32, #tpu.memory_space<hbm>> -> memref<1x32x768xf32, #tpu.memory_space<hbm>>
        %dma_start3A_557 = tpu.memref_squeeze %dma_start3A_556 : memref<1x32x768xf32, #tpu.memory_space<hbm>> -> memref<32x768xf32, #tpu.memory_space<hbm>>
        tpu.enqueue_dma source(%dma_start3A_557 : memref<32x768xf32, #tpu.memory_space<hbm>>) target(%dma_start3A_553 : memref<32x768xf32, #tpu.memory_space<vmem>>) target_semaphore(%arg20 : memref<!tpu.dma_semaphore, #tpu.memory_space<semaphore_mem>>)
        %mul3A_558 = arith.constant 16 : i32
        %mul3A_559 = arith.muli %add3A_427, %mul3A_558 : i32
        %add3A_560 = arith.constant 10 : i32
        %add3A_561 = arith.addi %mul3A_559, %add3A_560 : i32
        %get3A_562 = arith.index_cast %add3A_561 : i32 to index
        %get3A_563 = memref.load %arg1[%get3A_562] : memref<1024xi32, #tpu.memory_space<smem>>
        %dma_start3A_564 = arith.constant 320 : i32
        %dma_start3A_565 = arith.constant 0 : i32
        %dma_start3A_566 = tpu.memref_slice %arg16[%dma_start3A_564, %dma_start3A_565] : memref<512x768xf32, #tpu.memory_space<vmem>> -> memref<32x768xf32, #tpu.memory_space<vmem>>
        %dma_start3A_567 = arith.constant 0 : i32
        %dma_start3A_568 = arith.constant 0 : i32
        %dma_start3A_569 = tpu.memref_slice %arg11[%get3A_563, %dma_start3A_567, %dma_start3A_568] : memref<1024x32x768xf32, #tpu.memory_space<hbm>> -> memref<1x32x768xf32, #tpu.memory_space<hbm>>
        %dma_start3A_570 = tpu.memref_squeeze %dma_start3A_569 : memref<1x32x768xf32, #tpu.memory_space<hbm>> -> memref<32x768xf32, #tpu.memory_space<hbm>>
        tpu.enqueue_dma source(%dma_start3A_570 : memref<32x768xf32, #tpu.memory_space<hbm>>) target(%dma_start3A_566 : memref<32x768xf32, #tpu.memory_space<vmem>>) target_semaphore(%arg20 : memref<!tpu.dma_semaphore, #tpu.memory_space<semaphore_mem>>)
        %mul3A_571 = arith.constant 16 : i32
        %mul3A_572 = arith.muli %add3A_427, %mul3A_571 : i32
        %add3A_573 = arith.constant 11 : i32
        %add3A_574 = arith.addi %mul3A_572, %add3A_573 : i32
        %get3A_575 = arith.index_cast %add3A_574 : i32 to index
        %get3A_576 = memref.load %arg1[%get3A_575] : memref<1024xi32, #tpu.memory_space<smem>>
        %dma_start3A_577 = arith.constant 352 : i32
        %dma_start3A_578 = arith.constant 0 : i32
        %dma_start3A_579 = tpu.memref_slice %arg16[%dma_start3A_577, %dma_start3A_578] : memref<512x768xf32, #tpu.memory_space<vmem>> -> memref<32x768xf32, #tpu.memory_space<vmem>>
        %dma_start3A_580 = arith.constant 0 : i32
        %dma_start3A_581 = arith.constant 0 : i32
        %dma_start3A_582 = tpu.memref_slice %arg11[%get3A_576, %dma_start3A_580, %dma_start3A_581] : memref<1024x32x768xf32, #tpu.memory_space<hbm>> -> memref<1x32x768xf32, #tpu.memory_space<hbm>>
        %dma_start3A_583 = tpu.memref_squeeze %dma_start3A_582 : memref<1x32x768xf32, #tpu.memory_space<hbm>> -> memref<32x768xf32, #tpu.memory_space<hbm>>
        tpu.enqueue_dma source(%dma_start3A_583 : memref<32x768xf32, #tpu.memory_space<hbm>>) target(%dma_start3A_579 : memref<32x768xf32, #tpu.memory_space<vmem>>) target_semaphore(%arg20 : memref<!tpu.dma_semaphore, #tpu.memory_space<semaphore_mem>>)
        %mul3A_584 = arith.constant 16 : i32
        %mul3A_585 = arith.muli %add3A_427, %mul3A_584 : i32
        %add3A_586 = arith.constant 12 : i32
        %add3A_587 = arith.addi %mul3A_585, %add3A_586 : i32
        %get3A_588 = arith.index_cast %add3A_587 : i32 to index
        %get3A_589 = memref.load %arg1[%get3A_588] : memref<1024xi32, #tpu.memory_space<smem>>
        %dma_start3A_590 = arith.constant 384 : i32
        %dma_start3A_591 = arith.constant 0 : i32
        %dma_start3A_592 = tpu.memref_slice %arg16[%dma_start3A_590, %dma_start3A_591] : memref<512x768xf32, #tpu.memory_space<vmem>> -> memref<32x768xf32, #tpu.memory_space<vmem>>
        %dma_start3A_593 = arith.constant 0 : i32
        %dma_start3A_594 = arith.constant 0 : i32
        %dma_start3A_595 = tpu.memref_slice %arg11[%get3A_589, %dma_start3A_593, %dma_start3A_594] : memref<1024x32x768xf32, #tpu.memory_space<hbm>> -> memref<1x32x768xf32, #tpu.memory_space<hbm>>
        %dma_start3A_596 = tpu.memref_squeeze %dma_start3A_595 : memref<1x32x768xf32, #tpu.memory_space<hbm>> -> memref<32x768xf32, #tpu.memory_space<hbm>>
        tpu.enqueue_dma source(%dma_start3A_596 : memref<32x768xf32, #tpu.memory_space<hbm>>) target(%dma_start3A_592 : memref<32x768xf32, #tpu.memory_space<vmem>>) target_semaphore(%arg20 : memref<!tpu.dma_semaphore, #tpu.memory_space<semaphore_mem>>)
        %mul3A_597 = arith.constant 16 : i32
        %mul3A_598 = arith.muli %add3A_427, %mul3A_597 : i32
        %add3A_599 = arith.constant 13 : i32
        %add3A_600 = arith.addi %mul3A_598, %add3A_599 : i32
        %get3A_601 = arith.index_cast %add3A_600 : i32 to index
        %get3A_602 = memref.load %arg1[%get3A_601] : memref<1024xi32, #tpu.memory_space<smem>>
        %dma_start3A_603 = arith.constant 416 : i32
        %dma_start3A_604 = arith.constant 0 : i32
        %dma_start3A_605 = tpu.memref_slice %arg16[%dma_start3A_603, %dma_start3A_604] : memref<512x768xf32, #tpu.memory_space<vmem>> -> memref<32x768xf32, #tpu.memory_space<vmem>>
        %dma_start3A_606 = arith.constant 0 : i32
        %dma_start3A_607 = arith.constant 0 : i32
        %dma_start3A_608 = tpu.memref_slice %arg11[%get3A_602, %dma_start3A_606, %dma_start3A_607] : memref<1024x32x768xf32, #tpu.memory_space<hbm>> -> memref<1x32x768xf32, #tpu.memory_space<hbm>>
        %dma_start3A_609 = tpu.memref_squeeze %dma_start3A_608 : memref<1x32x768xf32, #tpu.memory_space<hbm>> -> memref<32x768xf32, #tpu.memory_space<hbm>>
        tpu.enqueue_dma source(%dma_start3A_609 : memref<32x768xf32, #tpu.memory_space<hbm>>) target(%dma_start3A_605 : memref<32x768xf32, #tpu.memory_space<vmem>>) target_semaphore(%arg20 : memref<!tpu.dma_semaphore, #tpu.memory_space<semaphore_mem>>)
        %mul3A_610 = arith.constant 16 : i32
        %mul3A_611 = arith.muli %add3A_427, %mul3A_610 : i32
        %add3A_612 = arith.constant 14 : i32
        %add3A_613 = arith.addi %mul3A_611, %add3A_612 : i32
        %get3A_614 = arith.index_cast %add3A_613 : i32 to index
        %get3A_615 = memref.load %arg1[%get3A_614] : memref<1024xi32, #tpu.memory_space<smem>>
        %dma_start3A_616 = arith.constant 448 : i32
        %dma_start3A_617 = arith.constant 0 : i32
        %dma_start3A_618 = tpu.memref_slice %arg16[%dma_start3A_616, %dma_start3A_617] : memref<512x768xf32, #tpu.memory_space<vmem>> -> memref<32x768xf32, #tpu.memory_space<vmem>>
        %dma_start3A_619 = arith.constant 0 : i32
        %dma_start3A_620 = arith.constant 0 : i32
        %dma_start3A_621 = tpu.memref_slice %arg11[%get3A_615, %dma_start3A_619, %dma_start3A_620] : memref<1024x32x768xf32, #tpu.memory_space<hbm>> -> memref<1x32x768xf32, #tpu.memory_space<hbm>>
        %dma_start3A_622 = tpu.memref_squeeze %dma_start3A_621 : memref<1x32x768xf32, #tpu.memory_space<hbm>> -> memref<32x768xf32, #tpu.memory_space<hbm>>
        tpu.enqueue_dma source(%dma_start3A_622 : memref<32x768xf32, #tpu.memory_space<hbm>>) target(%dma_start3A_618 : memref<32x768xf32, #tpu.memory_space<vmem>>) target_semaphore(%arg20 : memref<!tpu.dma_semaphore, #tpu.memory_space<semaphore_mem>>)
        %mul3A_623 = arith.constant 16 : i32
        %mul3A_624 = arith.muli %add3A_427, %mul3A_623 : i32
        %add3A_625 = arith.constant 15 : i32
        %add3A_626 = arith.addi %mul3A_624, %add3A_625 : i32
        %get3A_627 = arith.index_cast %add3A_626 : i32 to index
        %get3A_628 = memref.load %arg1[%get3A_627] : memref<1024xi32, #tpu.memory_space<smem>>
        %dma_start3A_629 = arith.constant 480 : i32
        %dma_start3A_630 = arith.constant 0 : i32
        %dma_start3A_631 = tpu.memref_slice %arg16[%dma_start3A_629, %dma_start3A_630] : memref<512x768xf32, #tpu.memory_space<vmem>> -> memref<32x768xf32, #tpu.memory_space<vmem>>
        %dma_start3A_632 = arith.constant 0 : i32
        %dma_start3A_633 = arith.constant 0 : i32
        %dma_start3A_634 = tpu.memref_slice %arg11[%get3A_628, %dma_start3A_632, %dma_start3A_633] : memref<1024x32x768xf32, #tpu.memory_space<hbm>> -> memref<1x32x768xf32, #tpu.memory_space<hbm>>
        %dma_start3A_635 = tpu.memref_squeeze %dma_start3A_634 : memref<1x32x768xf32, #tpu.memory_space<hbm>> -> memref<32x768xf32, #tpu.memory_space<hbm>>
        tpu.enqueue_dma source(%dma_start3A_635 : memref<32x768xf32, #tpu.memory_space<hbm>>) target(%dma_start3A_631 : memref<32x768xf32, #tpu.memory_space<vmem>>) target_semaphore(%arg20 : memref<!tpu.dma_semaphore, #tpu.memory_space<semaphore_mem>>)
      } else {
      }
      %add3A_402 = arith.constant 1 : i32
      %add3A_403 = arith.addi %while3A_394, %add3A_402 : i32
      %lt3A_404 = arith.cmpi slt, %add3A_403, %get3A_11 : i32
      %not3A = arith.constant true
      %not3A_405 = arith.xori %eq3A_397, %not3A : i1
      %and3A_406 = arith.andi %lt3A_404, %not3A_405 : i1
      %convert_element_type3A_407 = arith.extui %and3A_406 : i1 to i32
      %cond3A_408 = arith.constant 0 : i32
      %cond3A_409 = arith.cmpi ne, %convert_element_type3A_407, %cond3A_408 : i32
      scf.if %cond3A_409 {
        %add3A_426 = arith.constant 1 : i32
        %add3A_427 = arith.addi %while3A_394, %add3A_426 : i32
        %mul3A_428 = arith.constant 16 : i32
        %mul3A_429 = arith.muli %add3A_427, %mul3A_428 : i32
        %add3A_430 = arith.constant 0 : i32
        %add3A_431 = arith.addi %mul3A_429, %add3A_430 : i32
        %get3A_432 = arith.index_cast %add3A_431 : i32 to index
        %get3A_433 = memref.load %arg1[%get3A_432] : memref<1024xi32, #tpu.memory_space<smem>>
        %dma_start3A_434 = arith.constant 0 : i32
        %dma_start3A_435 = arith.constant 0 : i32
        %dma_start3A_436 = tpu.memref_slice %arg15[%dma_start3A_434, %dma_start3A_435] : memref<512x768xf32, #tpu.memory_space<vmem>> -> memref<32x768xf32, #tpu.memory_space<vmem>>
        %dma_start3A_437 = arith.constant 0 : i32
        %dma_start3A_438 = arith.constant 0 : i32
        %dma_start3A_439 = tpu.memref_slice %arg11[%get3A_433, %dma_start3A_437, %dma_start3A_438] : memref<1024x32x768xf32, #tpu.memory_space<hbm>> -> memref<1x32x768xf32, #tpu.memory_space<hbm>>
        %dma_start3A_440 = tpu.memref_squeeze %dma_start3A_439 : memref<1x32x768xf32, #tpu.memory_space<hbm>> -> memref<32x768xf32, #tpu.memory_space<hbm>>
        tpu.enqueue_dma source(%dma_start3A_440 : memref<32x768xf32, #tpu.memory_space<hbm>>) target(%dma_start3A_436 : memref<32x768xf32, #tpu.memory_space<vmem>>) target_semaphore(%arg19 : memref<!tpu.dma_semaphore, #tpu.memory_space<semaphore_mem>>)
        %mul3A_441 = arith.constant 16 : i32
        %mul3A_442 = arith.muli %add3A_427, %mul3A_441 : i32
        %add3A_443 = arith.constant 1 : i32
        %add3A_444 = arith.addi %mul3A_442, %add3A_443 : i32
        %get3A_445 = arith.index_cast %add3A_444 : i32 to index
        %get3A_446 = memref.load %arg1[%get3A_445] : memref<1024xi32, #tpu.memory_space<smem>>
        %dma_start3A_447 = arith.constant 32 : i32
        %dma_start3A_448 = arith.constant 0 : i32
        %dma_start3A_449 = tpu.memref_slice %arg15[%dma_start3A_447, %dma_start3A_448] : memref<512x768xf32, #tpu.memory_space<vmem>> -> memref<32x768xf32, #tpu.memory_space<vmem>>
        %dma_start3A_450 = arith.constant 0 : i32
        %dma_start3A_451 = arith.constant 0 : i32
        %dma_start3A_452 = tpu.memref_slice %arg11[%get3A_446, %dma_start3A_450, %dma_start3A_451] : memref<1024x32x768xf32, #tpu.memory_space<hbm>> -> memref<1x32x768xf32, #tpu.memory_space<hbm>>
        %dma_start3A_453 = tpu.memref_squeeze %dma_start3A_452 : memref<1x32x768xf32, #tpu.memory_space<hbm>> -> memref<32x768xf32, #tpu.memory_space<hbm>>
        tpu.enqueue_dma source(%dma_start3A_453 : memref<32x768xf32, #tpu.memory_space<hbm>>) target(%dma_start3A_449 : memref<32x768xf32, #tpu.memory_space<vmem>>) target_semaphore(%arg19 : memref<!tpu.dma_semaphore, #tpu.memory_space<semaphore_mem>>)
        %mul3A_454 = arith.constant 16 : i32
        %mul3A_455 = arith.muli %add3A_427, %mul3A_454 : i32
        %add3A_456 = arith.constant 2 : i32
        %add3A_457 = arith.addi %mul3A_455, %add3A_456 : i32
        %get3A_458 = arith.index_cast %add3A_457 : i32 to index
        %get3A_459 = memref.load %arg1[%get3A_458] : memref<1024xi32, #tpu.memory_space<smem>>
        %dma_start3A_460 = arith.constant 64 : i32
        %dma_start3A_461 = arith.constant 0 : i32
        %dma_start3A_462 = tpu.memref_slice %arg15[%dma_start3A_460, %dma_start3A_461] : memref<512x768xf32, #tpu.memory_space<vmem>> -> memref<32x768xf32, #tpu.memory_space<vmem>>
        %dma_start3A_463 = arith.constant 0 : i32
        %dma_start3A_464 = arith.constant 0 : i32
        %dma_start3A_465 = tpu.memref_slice %arg11[%get3A_459, %dma_start3A_463, %dma_start3A_464] : memref<1024x32x768xf32, #tpu.memory_space<hbm>> -> memref<1x32x768xf32, #tpu.memory_space<hbm>>
        %dma_start3A_466 = tpu.memref_squeeze %dma_start3A_465 : memref<1x32x768xf32, #tpu.memory_space<hbm>> -> memref<32x768xf32, #tpu.memory_space<hbm>>
        tpu.enqueue_dma source(%dma_start3A_466 : memref<32x768xf32, #tpu.memory_space<hbm>>) target(%dma_start3A_462 : memref<32x768xf32, #tpu.memory_space<vmem>>) target_semaphore(%arg19 : memref<!tpu.dma_semaphore, #tpu.memory_space<semaphore_mem>>)
        %mul3A_467 = arith.constant 16 : i32
        %mul3A_468 = arith.muli %add3A_427, %mul3A_467 : i32
        %add3A_469 = arith.constant 3 : i32
        %add3A_470 = arith.addi %mul3A_468, %add3A_469 : i32
        %get3A_471 = arith.index_cast %add3A_470 : i32 to index
        %get3A_472 = memref.load %arg1[%get3A_471] : memref<1024xi32, #tpu.memory_space<smem>>
        %dma_start3A_473 = arith.constant 96 : i32
        %dma_start3A_474 = arith.constant 0 : i32
        %dma_start3A_475 = tpu.memref_slice %arg15[%dma_start3A_473, %dma_start3A_474] : memref<512x768xf32, #tpu.memory_space<vmem>> -> memref<32x768xf32, #tpu.memory_space<vmem>>
        %dma_start3A_476 = arith.constant 0 : i32
        %dma_start3A_477 = arith.constant 0 : i32
        %dma_start3A_478 = tpu.memref_slice %arg11[%get3A_472, %dma_start3A_476, %dma_start3A_477] : memref<1024x32x768xf32, #tpu.memory_space<hbm>> -> memref<1x32x768xf32, #tpu.memory_space<hbm>>
        %dma_start3A_479 = tpu.memref_squeeze %dma_start3A_478 : memref<1x32x768xf32, #tpu.memory_space<hbm>> -> memref<32x768xf32, #tpu.memory_space<hbm>>
        tpu.enqueue_dma source(%dma_start3A_479 : memref<32x768xf32, #tpu.memory_space<hbm>>) target(%dma_start3A_475 : memref<32x768xf32, #tpu.memory_space<vmem>>) target_semaphore(%arg19 : memref<!tpu.dma_semaphore, #tpu.memory_space<semaphore_mem>>)
        %mul3A_480 = arith.constant 16 : i32
        %mul3A_481 = arith.muli %add3A_427, %mul3A_480 : i32
        %add3A_482 = arith.constant 4 : i32
        %add3A_483 = arith.addi %mul3A_481, %add3A_482 : i32
        %get3A_484 = arith.index_cast %add3A_483 : i32 to index
        %get3A_485 = memref.load %arg1[%get3A_484] : memref<1024xi32, #tpu.memory_space<smem>>
        %dma_start3A_486 = arith.constant 128 : i32
        %dma_start3A_487 = arith.constant 0 : i32
        %dma_start3A_488 = tpu.memref_slice %arg15[%dma_start3A_486, %dma_start3A_487] : memref<512x768xf32, #tpu.memory_space<vmem>> -> memref<32x768xf32, #tpu.memory_space<vmem>>
        %dma_start3A_489 = arith.constant 0 : i32
        %dma_start3A_490 = arith.constant 0 : i32
        %dma_start3A_491 = tpu.memref_slice %arg11[%get3A_485, %dma_start3A_489, %dma_start3A_490] : memref<1024x32x768xf32, #tpu.memory_space<hbm>> -> memref<1x32x768xf32, #tpu.memory_space<hbm>>
        %dma_start3A_492 = tpu.memref_squeeze %dma_start3A_491 : memref<1x32x768xf32, #tpu.memory_space<hbm>> -> memref<32x768xf32, #tpu.memory_space<hbm>>
        tpu.enqueue_dma source(%dma_start3A_492 : memref<32x768xf32, #tpu.memory_space<hbm>>) target(%dma_start3A_488 : memref<32x768xf32, #tpu.memory_space<vmem>>) target_semaphore(%arg19 : memref<!tpu.dma_semaphore, #tpu.memory_space<semaphore_mem>>)
        %mul3A_493 = arith.constant 16 : i32
        %mul3A_494 = arith.muli %add3A_427, %mul3A_493 : i32
        %add3A_495 = arith.constant 5 : i32
        %add3A_496 = arith.addi %mul3A_494, %add3A_495 : i32
        %get3A_497 = arith.index_cast %add3A_496 : i32 to index
        %get3A_498 = memref.load %arg1[%get3A_497] : memref<1024xi32, #tpu.memory_space<smem>>
        %dma_start3A_499 = arith.constant 160 : i32
        %dma_start3A_500 = arith.constant 0 : i32
        %dma_start3A_501 = tpu.memref_slice %arg15[%dma_start3A_499, %dma_start3A_500] : memref<512x768xf32, #tpu.memory_space<vmem>> -> memref<32x768xf32, #tpu.memory_space<vmem>>
        %dma_start3A_502 = arith.constant 0 : i32
        %dma_start3A_503 = arith.constant 0 : i32
        %dma_start3A_504 = tpu.memref_slice %arg11[%get3A_498, %dma_start3A_502, %dma_start3A_503] : memref<1024x32x768xf32, #tpu.memory_space<hbm>> -> memref<1x32x768xf32, #tpu.memory_space<hbm>>
        %dma_start3A_505 = tpu.memref_squeeze %dma_start3A_504 : memref<1x32x768xf32, #tpu.memory_space<hbm>> -> memref<32x768xf32, #tpu.memory_space<hbm>>
        tpu.enqueue_dma source(%dma_start3A_505 : memref<32x768xf32, #tpu.memory_space<hbm>>) target(%dma_start3A_501 : memref<32x768xf32, #tpu.memory_space<vmem>>) target_semaphore(%arg19 : memref<!tpu.dma_semaphore, #tpu.memory_space<semaphore_mem>>)
        %mul3A_506 = arith.constant 16 : i32
        %mul3A_507 = arith.muli %add3A_427, %mul3A_506 : i32
        %add3A_508 = arith.constant 6 : i32
        %add3A_509 = arith.addi %mul3A_507, %add3A_508 : i32
        %get3A_510 = arith.index_cast %add3A_509 : i32 to index
        %get3A_511 = memref.load %arg1[%get3A_510] : memref<1024xi32, #tpu.memory_space<smem>>
        %dma_start3A_512 = arith.constant 192 : i32
        %dma_start3A_513 = arith.constant 0 : i32
        %dma_start3A_514 = tpu.memref_slice %arg15[%dma_start3A_512, %dma_start3A_513] : memref<512x768xf32, #tpu.memory_space<vmem>> -> memref<32x768xf32, #tpu.memory_space<vmem>>
        %dma_start3A_515 = arith.constant 0 : i32
        %dma_start3A_516 = arith.constant 0 : i32
        %dma_start3A_517 = tpu.memref_slice %arg11[%get3A_511, %dma_start3A_515, %dma_start3A_516] : memref<1024x32x768xf32, #tpu.memory_space<hbm>> -> memref<1x32x768xf32, #tpu.memory_space<hbm>>
        %dma_start3A_518 = tpu.memref_squeeze %dma_start3A_517 : memref<1x32x768xf32, #tpu.memory_space<hbm>> -> memref<32x768xf32, #tpu.memory_space<hbm>>
        tpu.enqueue_dma source(%dma_start3A_518 : memref<32x768xf32, #tpu.memory_space<hbm>>) target(%dma_start3A_514 : memref<32x768xf32, #tpu.memory_space<vmem>>) target_semaphore(%arg19 : memref<!tpu.dma_semaphore, #tpu.memory_space<semaphore_mem>>)
        %mul3A_519 = arith.constant 16 : i32
        %mul3A_520 = arith.muli %add3A_427, %mul3A_519 : i32
        %add3A_521 = arith.constant 7 : i32
        %add3A_522 = arith.addi %mul3A_520, %add3A_521 : i32
        %get3A_523 = arith.index_cast %add3A_522 : i32 to index
        %get3A_524 = memref.load %arg1[%get3A_523] : memref<1024xi32, #tpu.memory_space<smem>>
        %dma_start3A_525 = arith.constant 224 : i32
        %dma_start3A_526 = arith.constant 0 : i32
        %dma_start3A_527 = tpu.memref_slice %arg15[%dma_start3A_525, %dma_start3A_526] : memref<512x768xf32, #tpu.memory_space<vmem>> -> memref<32x768xf32, #tpu.memory_space<vmem>>
        %dma_start3A_528 = arith.constant 0 : i32
        %dma_start3A_529 = arith.constant 0 : i32
        %dma_start3A_530 = tpu.memref_slice %arg11[%get3A_524, %dma_start3A_528, %dma_start3A_529] : memref<1024x32x768xf32, #tpu.memory_space<hbm>> -> memref<1x32x768xf32, #tpu.memory_space<hbm>>
        %dma_start3A_531 = tpu.memref_squeeze %dma_start3A_530 : memref<1x32x768xf32, #tpu.memory_space<hbm>> -> memref<32x768xf32, #tpu.memory_space<hbm>>
        tpu.enqueue_dma source(%dma_start3A_531 : memref<32x768xf32, #tpu.memory_space<hbm>>) target(%dma_start3A_527 : memref<32x768xf32, #tpu.memory_space<vmem>>) target_semaphore(%arg19 : memref<!tpu.dma_semaphore, #tpu.memory_space<semaphore_mem>>)
        %mul3A_532 = arith.constant 16 : i32
        %mul3A_533 = arith.muli %add3A_427, %mul3A_532 : i32
        %add3A_534 = arith.constant 8 : i32
        %add3A_535 = arith.addi %mul3A_533, %add3A_534 : i32
        %get3A_536 = arith.index_cast %add3A_535 : i32 to index
        %get3A_537 = memref.load %arg1[%get3A_536] : memref<1024xi32, #tpu.memory_space<smem>>
        %dma_start3A_538 = arith.constant 256 : i32
        %dma_start3A_539 = arith.constant 0 : i32
        %dma_start3A_540 = tpu.memref_slice %arg15[%dma_start3A_538, %dma_start3A_539] : memref<512x768xf32, #tpu.memory_space<vmem>> -> memref<32x768xf32, #tpu.memory_space<vmem>>
        %dma_start3A_541 = arith.constant 0 : i32
        %dma_start3A_542 = arith.constant 0 : i32
        %dma_start3A_543 = tpu.memref_slice %arg11[%get3A_537, %dma_start3A_541, %dma_start3A_542] : memref<1024x32x768xf32, #tpu.memory_space<hbm>> -> memref<1x32x768xf32, #tpu.memory_space<hbm>>
        %dma_start3A_544 = tpu.memref_squeeze %dma_start3A_543 : memref<1x32x768xf32, #tpu.memory_space<hbm>> -> memref<32x768xf32, #tpu.memory_space<hbm>>
        tpu.enqueue_dma source(%dma_start3A_544 : memref<32x768xf32, #tpu.memory_space<hbm>>) target(%dma_start3A_540 : memref<32x768xf32, #tpu.memory_space<vmem>>) target_semaphore(%arg19 : memref<!tpu.dma_semaphore, #tpu.memory_space<semaphore_mem>>)
        %mul3A_545 = arith.constant 16 : i32
        %mul3A_546 = arith.muli %add3A_427, %mul3A_545 : i32
        %add3A_547 = arith.constant 9 : i32
        %add3A_548 = arith.addi %mul3A_546, %add3A_547 : i32
        %get3A_549 = arith.index_cast %add3A_548 : i32 to index
        %get3A_550 = memref.load %arg1[%get3A_549] : memref<1024xi32, #tpu.memory_space<smem>>
        %dma_start3A_551 = arith.constant 288 : i32
        %dma_start3A_552 = arith.constant 0 : i32
        %dma_start3A_553 = tpu.memref_slice %arg15[%dma_start3A_551, %dma_start3A_552] : memref<512x768xf32, #tpu.memory_space<vmem>> -> memref<32x768xf32, #tpu.memory_space<vmem>>
        %dma_start3A_554 = arith.constant 0 : i32
        %dma_start3A_555 = arith.constant 0 : i32
        %dma_start3A_556 = tpu.memref_slice %arg11[%get3A_550, %dma_start3A_554, %dma_start3A_555] : memref<1024x32x768xf32, #tpu.memory_space<hbm>> -> memref<1x32x768xf32, #tpu.memory_space<hbm>>
        %dma_start3A_557 = tpu.memref_squeeze %dma_start3A_556 : memref<1x32x768xf32, #tpu.memory_space<hbm>> -> memref<32x768xf32, #tpu.memory_space<hbm>>
        tpu.enqueue_dma source(%dma_start3A_557 : memref<32x768xf32, #tpu.memory_space<hbm>>) target(%dma_start3A_553 : memref<32x768xf32, #tpu.memory_space<vmem>>) target_semaphore(%arg19 : memref<!tpu.dma_semaphore, #tpu.memory_space<semaphore_mem>>)
        %mul3A_558 = arith.constant 16 : i32
        %mul3A_559 = arith.muli %add3A_427, %mul3A_558 : i32
        %add3A_560 = arith.constant 10 : i32
        %add3A_561 = arith.addi %mul3A_559, %add3A_560 : i32
        %get3A_562 = arith.index_cast %add3A_561 : i32 to index
        %get3A_563 = memref.load %arg1[%get3A_562] : memref<1024xi32, #tpu.memory_space<smem>>
        %dma_start3A_564 = arith.constant 320 : i32
        %dma_start3A_565 = arith.constant 0 : i32
        %dma_start3A_566 = tpu.memref_slice %arg15[%dma_start3A_564, %dma_start3A_565] : memref<512x768xf32, #tpu.memory_space<vmem>> -> memref<32x768xf32, #tpu.memory_space<vmem>>
        %dma_start3A_567 = arith.constant 0 : i32
        %dma_start3A_568 = arith.constant 0 : i32
        %dma_start3A_569 = tpu.memref_slice %arg11[%get3A_563, %dma_start3A_567, %dma_start3A_568] : memref<1024x32x768xf32, #tpu.memory_space<hbm>> -> memref<1x32x768xf32, #tpu.memory_space<hbm>>
        %dma_start3A_570 = tpu.memref_squeeze %dma_start3A_569 : memref<1x32x768xf32, #tpu.memory_space<hbm>> -> memref<32x768xf32, #tpu.memory_space<hbm>>
        tpu.enqueue_dma source(%dma_start3A_570 : memref<32x768xf32, #tpu.memory_space<hbm>>) target(%dma_start3A_566 : memref<32x768xf32, #tpu.memory_space<vmem>>) target_semaphore(%arg19 : memref<!tpu.dma_semaphore, #tpu.memory_space<semaphore_mem>>)
        %mul3A_571 = arith.constant 16 : i32
        %mul3A_572 = arith.muli %add3A_427, %mul3A_571 : i32
        %add3A_573 = arith.constant 11 : i32
        %add3A_574 = arith.addi %mul3A_572, %add3A_573 : i32
        %get3A_575 = arith.index_cast %add3A_574 : i32 to index
        %get3A_576 = memref.load %arg1[%get3A_575] : memref<1024xi32, #tpu.memory_space<smem>>
        %dma_start3A_577 = arith.constant 352 : i32
        %dma_start3A_578 = arith.constant 0 : i32
        %dma_start3A_579 = tpu.memref_slice %arg15[%dma_start3A_577, %dma_start3A_578] : memref<512x768xf32, #tpu.memory_space<vmem>> -> memref<32x768xf32, #tpu.memory_space<vmem>>
        %dma_start3A_580 = arith.constant 0 : i32
        %dma_start3A_581 = arith.constant 0 : i32
        %dma_start3A_582 = tpu.memref_slice %arg11[%get3A_576, %dma_start3A_580, %dma_start3A_581] : memref<1024x32x768xf32, #tpu.memory_space<hbm>> -> memref<1x32x768xf32, #tpu.memory_space<hbm>>
        %dma_start3A_583 = tpu.memref_squeeze %dma_start3A_582 : memref<1x32x768xf32, #tpu.memory_space<hbm>> -> memref<32x768xf32, #tpu.memory_space<hbm>>
        tpu.enqueue_dma source(%dma_start3A_583 : memref<32x768xf32, #tpu.memory_space<hbm>>) target(%dma_start3A_579 : memref<32x768xf32, #tpu.memory_space<vmem>>) target_semaphore(%arg19 : memref<!tpu.dma_semaphore, #tpu.memory_space<semaphore_mem>>)
        %mul3A_584 = arith.constant 16 : i32
        %mul3A_585 = arith.muli %add3A_427, %mul3A_584 : i32
        %add3A_586 = arith.constant 12 : i32
        %add3A_587 = arith.addi %mul3A_585, %add3A_586 : i32
        %get3A_588 = arith.index_cast %add3A_587 : i32 to index
        %get3A_589 = memref.load %arg1[%get3A_588] : memref<1024xi32, #tpu.memory_space<smem>>
        %dma_start3A_590 = arith.constant 384 : i32
        %dma_start3A_591 = arith.constant 0 : i32
        %dma_start3A_592 = tpu.memref_slice %arg15[%dma_start3A_590, %dma_start3A_591] : memref<512x768xf32, #tpu.memory_space<vmem>> -> memref<32x768xf32, #tpu.memory_space<vmem>>
        %dma_start3A_593 = arith.constant 0 : i32
        %dma_start3A_594 = arith.constant 0 : i32
        %dma_start3A_595 = tpu.memref_slice %arg11[%get3A_589, %dma_start3A_593, %dma_start3A_594] : memref<1024x32x768xf32, #tpu.memory_space<hbm>> -> memref<1x32x768xf32, #tpu.memory_space<hbm>>
        %dma_start3A_596 = tpu.memref_squeeze %dma_start3A_595 : memref<1x32x768xf32, #tpu.memory_space<hbm>> -> memref<32x768xf32, #tpu.memory_space<hbm>>
        tpu.enqueue_dma source(%dma_start3A_596 : memref<32x768xf32, #tpu.memory_space<hbm>>) target(%dma_start3A_592 : memref<32x768xf32, #tpu.memory_space<vmem>>) target_semaphore(%arg19 : memref<!tpu.dma_semaphore, #tpu.memory_space<semaphore_mem>>)
        %mul3A_597 = arith.constant 16 : i32
        %mul3A_598 = arith.muli %add3A_427, %mul3A_597 : i32
        %add3A_599 = arith.constant 13 : i32
        %add3A_600 = arith.addi %mul3A_598, %add3A_599 : i32
        %get3A_601 = arith.index_cast %add3A_600 : i32 to index
        %get3A_602 = memref.load %arg1[%get3A_601] : memref<1024xi32, #tpu.memory_space<smem>>
        %dma_start3A_603 = arith.constant 416 : i32
        %dma_start3A_604 = arith.constant 0 : i32
        %dma_start3A_605 = tpu.memref_slice %arg15[%dma_start3A_603, %dma_start3A_604] : memref<512x768xf32, #tpu.memory_space<vmem>> -> memref<32x768xf32, #tpu.memory_space<vmem>>
        %dma_start3A_606 = arith.constant 0 : i32
        %dma_start3A_607 = arith.constant 0 : i32
        %dma_start3A_608 = tpu.memref_slice %arg11[%get3A_602, %dma_start3A_606, %dma_start3A_607] : memref<1024x32x768xf32, #tpu.memory_space<hbm>> -> memref<1x32x768xf32, #tpu.memory_space<hbm>>
        %dma_start3A_609 = tpu.memref_squeeze %dma_start3A_608 : memref<1x32x768xf32, #tpu.memory_space<hbm>> -> memref<32x768xf32, #tpu.memory_space<hbm>>
        tpu.enqueue_dma source(%dma_start3A_609 : memref<32x768xf32, #tpu.memory_space<hbm>>) target(%dma_start3A_605 : memref<32x768xf32, #tpu.memory_space<vmem>>) target_semaphore(%arg19 : memref<!tpu.dma_semaphore, #tpu.memory_space<semaphore_mem>>)
        %mul3A_610 = arith.constant 16 : i32
        %mul3A_611 = arith.muli %add3A_427, %mul3A_610 : i32
        %add3A_612 = arith.constant 14 : i32
        %add3A_613 = arith.addi %mul3A_611, %add3A_612 : i32
        %get3A_614 = arith.index_cast %add3A_613 : i32 to index
        %get3A_615 = memref.load %arg1[%get3A_614] : memref<1024xi32, #tpu.memory_space<smem>>
        %dma_start3A_616 = arith.constant 448 : i32
        %dma_start3A_617 = arith.constant 0 : i32
        %dma_start3A_618 = tpu.memref_slice %arg15[%dma_start3A_616, %dma_start3A_617] : memref<512x768xf32, #tpu.memory_space<vmem>> -> memref<32x768xf32, #tpu.memory_space<vmem>>
        %dma_start3A_619 = arith.constant 0 : i32
        %dma_start3A_620 = arith.constant 0 : i32
        %dma_start3A_621 = tpu.memref_slice %arg11[%get3A_615, %dma_start3A_619, %dma_start3A_620] : memref<1024x32x768xf32, #tpu.memory_space<hbm>> -> memref<1x32x768xf32, #tpu.memory_space<hbm>>
        %dma_start3A_622 = tpu.memref_squeeze %dma_start3A_621 : memref<1x32x768xf32, #tpu.memory_space<hbm>> -> memref<32x768xf32, #tpu.memory_space<hbm>>
        tpu.enqueue_dma source(%dma_start3A_622 : memref<32x768xf32, #tpu.memory_space<hbm>>) target(%dma_start3A_618 : memref<32x768xf32, #tpu.memory_space<vmem>>) target_semaphore(%arg19 : memref<!tpu.dma_semaphore, #tpu.memory_space<semaphore_mem>>)
        %mul3A_623 = arith.constant 16 : i32
        %mul3A_624 = arith.muli %add3A_427, %mul3A_623 : i32
        %add3A_625 = arith.constant 15 : i32
        %add3A_626 = arith.addi %mul3A_624, %add3A_625 : i32
        %get3A_627 = arith.index_cast %add3A_626 : i32 to index
        %get3A_628 = memref.load %arg1[%get3A_627] : memref<1024xi32, #tpu.memory_space<smem>>
        %dma_start3A_629 = arith.constant 480 : i32
        %dma_start3A_630 = arith.constant 0 : i32
        %dma_start3A_631 = tpu.memref_slice %arg15[%dma_start3A_629, %dma_start3A_630] : memref<512x768xf32, #tpu.memory_space<vmem>> -> memref<32x768xf32, #tpu.memory_space<vmem>>
        %dma_start3A_632 = arith.constant 0 : i32
        %dma_start3A_633 = arith.constant 0 : i32
        %dma_start3A_634 = tpu.memref_slice %arg11[%get3A_628, %dma_start3A_632, %dma_start3A_633] : memref<1024x32x768xf32, #tpu.memory_space<hbm>> -> memref<1x32x768xf32, #tpu.memory_space<hbm>>
        %dma_start3A_635 = tpu.memref_squeeze %dma_start3A_634 : memref<1x32x768xf32, #tpu.memory_space<hbm>> -> memref<32x768xf32, #tpu.memory_space<hbm>>
        tpu.enqueue_dma source(%dma_start3A_635 : memref<32x768xf32, #tpu.memory_space<hbm>>) target(%dma_start3A_631 : memref<32x768xf32, #tpu.memory_space<vmem>>) target_semaphore(%arg19 : memref<!tpu.dma_semaphore, #tpu.memory_space<semaphore_mem>>)
      } else {
      }
      %convert_element_type3A_410 = arith.extui %eq3A_397 : i1 to i32
      %cond3A_411 = arith.constant 0 : i32
      %cond3A_412 = arith.cmpi ne, %convert_element_type3A_410, %cond3A_411 : i32
      scf.if %cond3A_412 {
        %dma_wait3A = arith.constant 0 : i32
        %dma_wait3A_426 = arith.constant 0 : i32
        %dma_wait3A_427 = arith.constant 0 : i32
        %dma_wait3A_428 = tpu.memref_slice %arg11[%dma_wait3A, %dma_wait3A_426, %dma_wait3A_427] : memref<1024x32x768xf32, #tpu.memory_space<hbm>> -> memref<1x32x768xf32, #tpu.memory_space<hbm>>
        %dma_wait3A_429 = tpu.memref_squeeze %dma_wait3A_428 : memref<1x32x768xf32, #tpu.memory_space<hbm>> -> memref<32x768xf32, #tpu.memory_space<hbm>>
        tpu.wait_dma2 semaphore(%arg19 : memref<!tpu.dma_semaphore, #tpu.memory_space<semaphore_mem>>) src(%dma_wait3A_429 : memref<32x768xf32, #tpu.memory_space<hbm>>) dst(%arg15 : memref<512x768xf32, #tpu.memory_space<vmem>>)
      } else {
      }
      %not3A_413 = arith.constant true
      %not3A_414 = arith.xori %eq3A_397, %not3A_413 : i1
      %convert_element_type3A_415 = arith.extui %not3A_414 : i1 to i32
      %cond3A_416 = arith.constant 0 : i32
      %cond3A_417 = arith.cmpi ne, %convert_element_type3A_415, %cond3A_416 : i32
      scf.if %cond3A_417 {
        %dma_wait3A = arith.constant 0 : i32
        %dma_wait3A_426 = arith.constant 0 : i32
        %dma_wait3A_427 = arith.constant 0 : i32
        %dma_wait3A_428 = tpu.memref_slice %arg11[%dma_wait3A, %dma_wait3A_426, %dma_wait3A_427] : memref<1024x32x768xf32, #tpu.memory_space<hbm>> -> memref<1x32x768xf32, #tpu.memory_space<hbm>>
        %dma_wait3A_429 = tpu.memref_squeeze %dma_wait3A_428 : memref<1x32x768xf32, #tpu.memory_space<hbm>> -> memref<32x768xf32, #tpu.memory_space<hbm>>
        tpu.wait_dma2 semaphore(%arg20 : memref<!tpu.dma_semaphore, #tpu.memory_space<semaphore_mem>>) src(%dma_wait3A_429 : memref<32x768xf32, #tpu.memory_space<hbm>>) dst(%arg16 : memref<512x768xf32, #tpu.memory_space<vmem>>)
      } else {
      }
      %convert_element_type3A_418 = arith.extui %eq3A_397 : i1 to i32
      %cond3A_419 = arith.constant 0 : i32
      %cond3A_420 = arith.cmpi ne, %convert_element_type3A_418, %cond3A_419 : i32
      scf.if %cond3A_420 {
        %get3A_426 = arith.constant 0 : index
        %get3A_427 = arith.constant 0 : index
        %get3A_428 = vector.load %arg15[%get3A_426, %get3A_427] : memref<512x768xf32, #tpu.memory_space<vmem>>, vector<512x768xf32>
        %dot_general3A_429 = arith.constant dense<0.000000e+00> : vector<512x256xf32>
        %dot_general3A_430 = tpu.matmul %get3A_428, %get3A_1, %dot_general3A_429 {dimension_numbers = #tpu.dot_dimension_numbers<[1], [0], [0], [1], [0, 0, 1, 1], [], []>, transpose_lhs_hint = false} : vector<512x768xf32>, vector<768x256xf32>, vector<512x256xf32> -> vector<512x256xf32>
        %mul3A_431 = arith.mulf %get3A_428, %get3A_428 : vector<512x768xf32>
        %reduce_sum3A_432 = arith.constant dense<0.000000e+00> : vector<512xf32>
        %reduce_sum3A_433 = vector.multi_reduction <add>, %mul3A_431, %reduce_sum3A_432 [1] : vector<512x768xf32> to vector<512xf32>
        %broadcast_in_dim3A_434 = vector.shape_cast %reduce_sum3A_433 : vector<512xf32> to vector<512x1xf32>
        %add3A_435 = vector.broadcast %transpose3A : vector<1x256xf32> to vector<512x256xf32>
        %add3A_436 = vector.broadcast %broadcast_in_dim3A_434 : vector<512x1xf32> to vector<512x256xf32>
        %add3A_437 = arith.addf %add3A_435, %add3A_436 : vector<512x256xf32>
        %mul3A_438 = arith.constant 2.000000e+00 : f32
        %mul3A_439 = vector.broadcast %mul3A_438 : f32 to vector<512x256xf32>
        %mul3A_440 = arith.mulf %mul3A_439, %dot_general3A_430 : vector<512x256xf32>
        %sub3A_441 = arith.subf %add3A_437, %mul3A_440 : vector<512x256xf32>
        %neg3A = arith.constant 0.000000e+00 : f32
        %neg3A_442 = vector.broadcast %neg3A : f32 to vector<512x256xf32>
        %neg3A_443 = arith.subf %neg3A_442, %sub3A_441 : vector<512x256xf32>
        %div3A_444 = vector.broadcast %get3A_5 : f32 to vector<512x256xf32>
        %div3A_445 = arith.divf %neg3A_443, %div3A_444 : vector<512x256xf32>
        %reshape3A = vector.shape_cast %div3A_445 : vector<512x256xf32> to vector<16x32x256xf32>
        %reduce_max3A_446 = arith.constant dense<0xFF800000> : vector<16x256xf32>
        %reduce_max3A_447 = vector.multi_reduction <maximumf>, %reshape3A, %reduce_max3A_446 [1] : vector<16x32x256xf32> to vector<16x256xf32>
        %broadcast_in_dim3A_448 = vector.shape_cast %reduce_max3A_447 : vector<16x256xf32> to vector<16x1x256xf32>
        %eq3A_449 = vector.broadcast %broadcast_in_dim3A_448 : vector<16x1x256xf32> to vector<16x32x256xf32>
        %eq3A_450 = arith.cmpf oeq, %reshape3A, %eq3A_449 : vector<16x32x256xf32>
        %jit3A_451 = arith.constant 32 : i32
        %broadcast_in_dim3A_452 = vector.broadcast %jit3A_451 : i32 to vector<16x32x256xi32>
        %select_n3A_453 = arith.select %eq3A_450, %iota3A, %broadcast_in_dim3A_452 : vector<16x32x256xi1>, vector<16x32x256xi32>
        %reduce_min3A = arith.constant dense<2147483647> : vector<16x256xi32>
        %reduce_min3A_454 = vector.multi_reduction <minsi>, %select_n3A_453, %reduce_min3A [1] : vector<16x32x256xi32> to vector<16x256xi32>
        %mul3A_455 = arith.constant 16 : i32
        %mul3A_456 = arith.muli %while3A_394, %mul3A_455 : i32
        %swap3A_457 = arith.index_cast %mul3A_456 : i32 to index
        %swap3A_458 = arith.constant 0 : index
        %swap3A_459 = vector.load %arg17[%swap3A_457, %swap3A_458] : memref<1024x256xf32, #tpu.memory_space<vmem>>, vector<16x256xf32>
        tpu.vector_store %arg17[%swap3A_457, %swap3A_458], %reduce_max3A_447 {strides = array<i32>} : memref<1024x256xf32, #tpu.memory_space<vmem>>, vector<16x256xf32>,
        %mul3A_460 = arith.constant 16 : i32
        %mul3A_461 = arith.muli %while3A_394, %mul3A_460 : i32
        %swap3A_462 = arith.index_cast %mul3A_461 : i32 to index
        %swap3A_463 = arith.constant 0 : index
        %swap3A_464 = vector.load %arg18[%swap3A_462, %swap3A_463] : memref<1024x256xi32, #tpu.memory_space<vmem>>, vector<16x256xi32>
        tpu.vector_store %arg18[%swap3A_462, %swap3A_463], %reduce_min3A_454 {strides = array<i32>} : memref<1024x256xi32, #tpu.memory_space<vmem>>, vector<16x256xi32>,
      } else {
      }
      %not3A_421 = arith.constant true
      %not3A_422 = arith.xori %eq3A_397, %not3A_421 : i1
      %convert_element_type3A_423 = arith.extui %not3A_422 : i1 to i32
      %cond3A_424 = arith.constant 0 : i32
      %cond3A_425 = arith.cmpi ne, %convert_element_type3A_423, %cond3A_424 : i32
      scf.if %cond3A_425 {
        %get3A_426 = arith.constant 0 : index
        %get3A_427 = arith.constant 0 : index
        %get3A_428 = vector.load %arg16[%get3A_426, %get3A_427] : memref<512x768xf32, #tpu.memory_space<vmem>>, vector<512x768xf32>
        %dot_general3A_429 = arith.constant dense<0.000000e+00> : vector<512x256xf32>
        %dot_general3A_430 = tpu.matmul %get3A_428, %get3A_1, %dot_general3A_429 {dimension_numbers = #tpu.dot_dimension_numbers<[1], [0], [0], [1], [0, 0, 1, 1], [], []>, transpose_lhs_hint = false} : vector<512x768xf32>, vector<768x256xf32>, vector<512x256xf32> -> vector<512x256xf32>
        %mul3A_431 = arith.mulf %get3A_428, %get3A_428 : vector<512x768xf32>
        %reduce_sum3A_432 = arith.constant dense<0.000000e+00> : vector<512xf32>
        %reduce_sum3A_433 = vector.multi_reduction <add>, %mul3A_431, %reduce_sum3A_432 [1] : vector<512x768xf32> to vector<512xf32>
        %broadcast_in_dim3A_434 = vector.shape_cast %reduce_sum3A_433 : vector<512xf32> to vector<512x1xf32>
        %add3A_435 = vector.broadcast %transpose3A : vector<1x256xf32> to vector<512x256xf32>
        %add3A_436 = vector.broadcast %broadcast_in_dim3A_434 : vector<512x1xf32> to vector<512x256xf32>
        %add3A_437 = arith.addf %add3A_435, %add3A_436 : vector<512x256xf32>
        %mul3A_438 = arith.constant 2.000000e+00 : f32
        %mul3A_439 = vector.broadcast %mul3A_438 : f32 to vector<512x256xf32>
        %mul3A_440 = arith.mulf %mul3A_439, %dot_general3A_430 : vector<512x256xf32>
        %sub3A_441 = arith.subf %add3A_437, %mul3A_440 : vector<512x256xf32>
        %neg3A = arith.constant 0.000000e+00 : f32
        %neg3A_442 = vector.broadcast %neg3A : f32 to vector<512x256xf32>
        %neg3A_443 = arith.subf %neg3A_442, %sub3A_441 : vector<512x256xf32>
        %div3A_444 = vector.broadcast %get3A_5 : f32 to vector<512x256xf32>
        %div3A_445 = arith.divf %neg3A_443, %div3A_444 : vector<512x256xf32>
        %reshape3A = vector.shape_cast %div3A_445 : vector<512x256xf32> to vector<16x32x256xf32>
        %reduce_max3A_446 = arith.constant dense<0xFF800000> : vector<16x256xf32>
        %reduce_max3A_447 = vector.multi_reduction <maximumf>, %reshape3A, %reduce_max3A_446 [1] : vector<16x32x256xf32> to vector<16x256xf32>
        %broadcast_in_dim3A_448 = vector.shape_cast %reduce_max3A_447 : vector<16x256xf32> to vector<16x1x256xf32>
        %eq3A_449 = vector.broadcast %broadcast_in_dim3A_448 : vector<16x1x256xf32> to vector<16x32x256xf32>
        %eq3A_450 = arith.cmpf oeq, %reshape3A, %eq3A_449 : vector<16x32x256xf32>
        %jit3A_451 = arith.constant 32 : i32
        %broadcast_in_dim3A_452 = vector.broadcast %jit3A_451 : i32 to vector<16x32x256xi32>
        %select_n3A_453 = arith.select %eq3A_450, %iota3A, %broadcast_in_dim3A_452 : vector<16x32x256xi1>, vector<16x32x256xi32>
        %reduce_min3A = arith.constant dense<2147483647> : vector<16x256xi32>
        %reduce_min3A_454 = vector.multi_reduction <minsi>, %select_n3A_453, %reduce_min3A [1] : vector<16x32x256xi32> to vector<16x256xi32>
        %mul3A_455 = arith.constant 16 : i32
        %mul3A_456 = arith.muli %while3A_394, %mul3A_455 : i32
        %swap3A_457 = arith.index_cast %mul3A_456 : i32 to index
        %swap3A_458 = arith.constant 0 : index
        %swap3A_459 = vector.load %arg17[%swap3A_457, %swap3A_458] : memref<1024x256xf32, #tpu.memory_space<vmem>>, vector<16x256xf32>
        tpu.vector_store %arg17[%swap3A_457, %swap3A_458], %reduce_max3A_447 {strides = array<i32>} : memref<1024x256xf32, #tpu.memory_space<vmem>>, vector<16x256xf32>,
        %mul3A_460 = arith.constant 16 : i32
        %mul3A_461 = arith.muli %while3A_394, %mul3A_460 : i32
        %swap3A_462 = arith.index_cast %mul3A_461 : i32 to index
        %swap3A_463 = arith.constant 0 : index
        %swap3A_464 = vector.load %arg18[%swap3A_462, %swap3A_463] : memref<1024x256xi32, #tpu.memory_space<vmem>>, vector<16x256xi32>
        tpu.vector_store %arg18[%swap3A_462, %swap3A_463], %reduce_min3A_454 {strides = array<i32>} : memref<1024x256xi32, #tpu.memory_space<vmem>>, vector<16x256xi32>,
      } else {
      }
    }
    %while3A_163 = arith.constant 1 : i32
    scf.for %while3A_394 = %while3A_161 to %while3A_157 step %while3A_163  : i32 {
      %rem3A = arith.constant 2 : i32
      %rem3A_395 = arith.remsi %while3A_394, %rem3A : i32
      %eq3A_396 = arith.constant 0 : i32
      %eq3A_397 = arith.cmpi eq, %rem3A_395, %eq3A_396 : i32
      %add3A_398 = arith.constant 1 : i32
      %add3A_399 = arith.addi %while3A_394, %add3A_398 : i32
      %lt3A = arith.cmpi slt, %add3A_399, %get3A_11 : i32
      %and3A = arith.andi %lt3A, %eq3A_397 : i1
      %convert_element_type3A_400 = arith.extui %and3A : i1 to i32
      %cond3A = arith.constant 0 : i32
      %cond3A_401 = arith.cmpi ne, %convert_element_type3A_400, %cond3A : i32
      scf.if %cond3A_401 {
        %add3A_426 = arith.constant 1 : i32
        %add3A_427 = arith.addi %while3A_394, %add3A_426 : i32
        %mul3A_428 = arith.constant 16 : i32
        %mul3A_429 = arith.muli %add3A_427, %mul3A_428 : i32
        %add3A_430 = arith.constant 0 : i32
        %add3A_431 = arith.addi %mul3A_429, %add3A_430 : i32
        %get3A_432 = arith.index_cast %add3A_431 : i32 to index
        %get3A_433 = memref.load %arg1[%get3A_432] : memref<1024xi32, #tpu.memory_space<smem>>
        %dma_start3A_434 = arith.constant 0 : i32
        %dma_start3A_435 = arith.constant 0 : i32
        %dma_start3A_436 = tpu.memref_slice %arg16[%dma_start3A_434, %dma_start3A_435] : memref<512x768xf32, #tpu.memory_space<vmem>> -> memref<32x768xf32, #tpu.memory_space<vmem>>
        %dma_start3A_437 = arith.constant 0 : i32
        %dma_start3A_438 = arith.constant 0 : i32
        %dma_start3A_439 = tpu.memref_slice %arg11[%get3A_433, %dma_start3A_437, %dma_start3A_438] : memref<1024x32x768xf32, #tpu.memory_space<hbm>> -> memref<1x32x768xf32, #tpu.memory_space<hbm>>
        %dma_start3A_440 = tpu.memref_squeeze %dma_start3A_439 : memref<1x32x768xf32, #tpu.memory_space<hbm>> -> memref<32x768xf32, #tpu.memory_space<hbm>>
        tpu.enqueue_dma source(%dma_start3A_440 : memref<32x768xf32, #tpu.memory_space<hbm>>) target(%dma_start3A_436 : memref<32x768xf32, #tpu.memory_space<vmem>>) target_semaphore(%arg20 : memref<!tpu.dma_semaphore, #tpu.memory_space<semaphore_mem>>)
        %mul3A_441 = arith.constant 16 : i32
        %mul3A_442 = arith.muli %add3A_427, %mul3A_441 : i32
        %add3A_443 = arith.constant 1 : i32
        %add3A_444 = arith.addi %mul3A_442, %add3A_443 : i32
        %get3A_445 = arith.index_cast %add3A_444 : i32 to index
        %get3A_446 = memref.load %arg1[%get3A_445] : memref<1024xi32, #tpu.memory_space<smem>>
        %dma_start3A_447 = arith.constant 32 : i32
        %dma_start3A_448 = arith.constant 0 : i32
        %dma_start3A_449 = tpu.memref_slice %arg16[%dma_start3A_447, %dma_start3A_448] : memref<512x768xf32, #tpu.memory_space<vmem>> -> memref<32x768xf32, #tpu.memory_space<vmem>>
        %dma_start3A_450 = arith.constant 0 : i32
        %dma_start3A_451 = arith.constant 0 : i32
        %dma_start3A_452 = tpu.memref_slice %arg11[%get3A_446, %dma_start3A_450, %dma_start3A_451] : memref<1024x32x768xf32, #tpu.memory_space<hbm>> -> memref<1x32x768xf32, #tpu.memory_space<hbm>>
        %dma_start3A_453 = tpu.memref_squeeze %dma_start3A_452 : memref<1x32x768xf32, #tpu.memory_space<hbm>> -> memref<32x768xf32, #tpu.memory_space<hbm>>
        tpu.enqueue_dma source(%dma_start3A_453 : memref<32x768xf32, #tpu.memory_space<hbm>>) target(%dma_start3A_449 : memref<32x768xf32, #tpu.memory_space<vmem>>) target_semaphore(%arg20 : memref<!tpu.dma_semaphore, #tpu.memory_space<semaphore_mem>>)
        %mul3A_454 = arith.constant 16 : i32
        %mul3A_455 = arith.muli %add3A_427, %mul3A_454 : i32
        %add3A_456 = arith.constant 2 : i32
        %add3A_457 = arith.addi %mul3A_455, %add3A_456 : i32
        %get3A_458 = arith.index_cast %add3A_457 : i32 to index
        %get3A_459 = memref.load %arg1[%get3A_458] : memref<1024xi32, #tpu.memory_space<smem>>
        %dma_start3A_460 = arith.constant 64 : i32
        %dma_start3A_461 = arith.constant 0 : i32
        %dma_start3A_462 = tpu.memref_slice %arg16[%dma_start3A_460, %dma_start3A_461] : memref<512x768xf32, #tpu.memory_space<vmem>> -> memref<32x768xf32, #tpu.memory_space<vmem>>
        %dma_start3A_463 = arith.constant 0 : i32
        %dma_start3A_464 = arith.constant 0 : i32
        %dma_start3A_465 = tpu.memref_slice %arg11[%get3A_459, %dma_start3A_463, %dma_start3A_464] : memref<1024x32x768xf32, #tpu.memory_space<hbm>> -> memref<1x32x768xf32, #tpu.memory_space<hbm>>
        %dma_start3A_466 = tpu.memref_squeeze %dma_start3A_465 : memref<1x32x768xf32, #tpu.memory_space<hbm>> -> memref<32x768xf32, #tpu.memory_space<hbm>>
        tpu.enqueue_dma source(%dma_start3A_466 : memref<32x768xf32, #tpu.memory_space<hbm>>) target(%dma_start3A_462 : memref<32x768xf32, #tpu.memory_space<vmem>>) target_semaphore(%arg20 : memref<!tpu.dma_semaphore, #tpu.memory_space<semaphore_mem>>)
        %mul3A_467 = arith.constant 16 : i32
        %mul3A_468 = arith.muli %add3A_427, %mul3A_467 : i32
        %add3A_469 = arith.constant 3 : i32
        %add3A_470 = arith.addi %mul3A_468, %add3A_469 : i32
        %get3A_471 = arith.index_cast %add3A_470 : i32 to index
        %get3A_472 = memref.load %arg1[%get3A_471] : memref<1024xi32, #tpu.memory_space<smem>>
        %dma_start3A_473 = arith.constant 96 : i32
        %dma_start3A_474 = arith.constant 0 : i32
        %dma_start3A_475 = tpu.memref_slice %arg16[%dma_start3A_473, %dma_start3A_474] : memref<512x768xf32, #tpu.memory_space<vmem>> -> memref<32x768xf32, #tpu.memory_space<vmem>>
        %dma_start3A_476 = arith.constant 0 : i32
        %dma_start3A_477 = arith.constant 0 : i32
        %dma_start3A_478 = tpu.memref_slice %arg11[%get3A_472, %dma_start3A_476, %dma_start3A_477] : memref<1024x32x768xf32, #tpu.memory_space<hbm>> -> memref<1x32x768xf32, #tpu.memory_space<hbm>>
        %dma_start3A_479 = tpu.memref_squeeze %dma_start3A_478 : memref<1x32x768xf32, #tpu.memory_space<hbm>> -> memref<32x768xf32, #tpu.memory_space<hbm>>
        tpu.enqueue_dma source(%dma_start3A_479 : memref<32x768xf32, #tpu.memory_space<hbm>>) target(%dma_start3A_475 : memref<32x768xf32, #tpu.memory_space<vmem>>) target_semaphore(%arg20 : memref<!tpu.dma_semaphore, #tpu.memory_space<semaphore_mem>>)
        %mul3A_480 = arith.constant 16 : i32
        %mul3A_481 = arith.muli %add3A_427, %mul3A_480 : i32
        %add3A_482 = arith.constant 4 : i32
        %add3A_483 = arith.addi %mul3A_481, %add3A_482 : i32
        %get3A_484 = arith.index_cast %add3A_483 : i32 to index
        %get3A_485 = memref.load %arg1[%get3A_484] : memref<1024xi32, #tpu.memory_space<smem>>
        %dma_start3A_486 = arith.constant 128 : i32
        %dma_start3A_487 = arith.constant 0 : i32
        %dma_start3A_488 = tpu.memref_slice %arg16[%dma_start3A_486, %dma_start3A_487] : memref<512x768xf32, #tpu.memory_space<vmem>> -> memref<32x768xf32, #tpu.memory_space<vmem>>
        %dma_start3A_489 = arith.constant 0 : i32
        %dma_start3A_490 = arith.constant 0 : i32
        %dma_start3A_491 = tpu.memref_slice %arg11[%get3A_485, %dma_start3A_489, %dma_start3A_490] : memref<1024x32x768xf32, #tpu.memory_space<hbm>> -> memref<1x32x768xf32, #tpu.memory_space<hbm>>
        %dma_start3A_492 = tpu.memref_squeeze %dma_start3A_491 : memref<1x32x768xf32, #tpu.memory_space<hbm>> -> memref<32x768xf32, #tpu.memory_space<hbm>>
        tpu.enqueue_dma source(%dma_start3A_492 : memref<32x768xf32, #tpu.memory_space<hbm>>) target(%dma_start3A_488 : memref<32x768xf32, #tpu.memory_space<vmem>>) target_semaphore(%arg20 : memref<!tpu.dma_semaphore, #tpu.memory_space<semaphore_mem>>)
        %mul3A_493 = arith.constant 16 : i32
        %mul3A_494 = arith.muli %add3A_427, %mul3A_493 : i32
        %add3A_495 = arith.constant 5 : i32
        %add3A_496 = arith.addi %mul3A_494, %add3A_495 : i32
        %get3A_497 = arith.index_cast %add3A_496 : i32 to index
        %get3A_498 = memref.load %arg1[%get3A_497] : memref<1024xi32, #tpu.memory_space<smem>>
        %dma_start3A_499 = arith.constant 160 : i32
        %dma_start3A_500 = arith.constant 0 : i32
        %dma_start3A_501 = tpu.memref_slice %arg16[%dma_start3A_499, %dma_start3A_500] : memref<512x768xf32, #tpu.memory_space<vmem>> -> memref<32x768xf32, #tpu.memory_space<vmem>>
        %dma_start3A_502 = arith.constant 0 : i32
        %dma_start3A_503 = arith.constant 0 : i32
        %dma_start3A_504 = tpu.memref_slice %arg11[%get3A_498, %dma_start3A_502, %dma_start3A_503] : memref<1024x32x768xf32, #tpu.memory_space<hbm>> -> memref<1x32x768xf32, #tpu.memory_space<hbm>>
        %dma_start3A_505 = tpu.memref_squeeze %dma_start3A_504 : memref<1x32x768xf32, #tpu.memory_space<hbm>> -> memref<32x768xf32, #tpu.memory_space<hbm>>
        tpu.enqueue_dma source(%dma_start3A_505 : memref<32x768xf32, #tpu.memory_space<hbm>>) target(%dma_start3A_501 : memref<32x768xf32, #tpu.memory_space<vmem>>) target_semaphore(%arg20 : memref<!tpu.dma_semaphore, #tpu.memory_space<semaphore_mem>>)
        %mul3A_506 = arith.constant 16 : i32
        %mul3A_507 = arith.muli %add3A_427, %mul3A_506 : i32
        %add3A_508 = arith.constant 6 : i32
        %add3A_509 = arith.addi %mul3A_507, %add3A_508 : i32
        %get3A_510 = arith.index_cast %add3A_509 : i32 to index
        %get3A_511 = memref.load %arg1[%get3A_510] : memref<1024xi32, #tpu.memory_space<smem>>
        %dma_start3A_512 = arith.constant 192 : i32
        %dma_start3A_513 = arith.constant 0 : i32
        %dma_start3A_514 = tpu.memref_slice %arg16[%dma_start3A_512, %dma_start3A_513] : memref<512x768xf32, #tpu.memory_space<vmem>> -> memref<32x768xf32, #tpu.memory_space<vmem>>
        %dma_start3A_515 = arith.constant 0 : i32
        %dma_start3A_516 = arith.constant 0 : i32
        %dma_start3A_517 = tpu.memref_slice %arg11[%get3A_511, %dma_start3A_515, %dma_start3A_516] : memref<1024x32x768xf32, #tpu.memory_space<hbm>> -> memref<1x32x768xf32, #tpu.memory_space<hbm>>
        %dma_start3A_518 = tpu.memref_squeeze %dma_start3A_517 : memref<1x32x768xf32, #tpu.memory_space<hbm>> -> memref<32x768xf32, #tpu.memory_space<hbm>>
        tpu.enqueue_dma source(%dma_start3A_518 : memref<32x768xf32, #tpu.memory_space<hbm>>) target(%dma_start3A_514 : memref<32x768xf32, #tpu.memory_space<vmem>>) target_semaphore(%arg20 : memref<!tpu.dma_semaphore, #tpu.memory_space<semaphore_mem>>)
        %mul3A_519 = arith.constant 16 : i32
        %mul3A_520 = arith.muli %add3A_427, %mul3A_519 : i32
        %add3A_521 = arith.constant 7 : i32
        %add3A_522 = arith.addi %mul3A_520, %add3A_521 : i32
        %get3A_523 = arith.index_cast %add3A_522 : i32 to index
        %get3A_524 = memref.load %arg1[%get3A_523] : memref<1024xi32, #tpu.memory_space<smem>>
        %dma_start3A_525 = arith.constant 224 : i32
        %dma_start3A_526 = arith.constant 0 : i32
        %dma_start3A_527 = tpu.memref_slice %arg16[%dma_start3A_525, %dma_start3A_526] : memref<512x768xf32, #tpu.memory_space<vmem>> -> memref<32x768xf32, #tpu.memory_space<vmem>>
        %dma_start3A_528 = arith.constant 0 : i32
        %dma_start3A_529 = arith.constant 0 : i32
        %dma_start3A_530 = tpu.memref_slice %arg11[%get3A_524, %dma_start3A_528, %dma_start3A_529] : memref<1024x32x768xf32, #tpu.memory_space<hbm>> -> memref<1x32x768xf32, #tpu.memory_space<hbm>>
        %dma_start3A_531 = tpu.memref_squeeze %dma_start3A_530 : memref<1x32x768xf32, #tpu.memory_space<hbm>> -> memref<32x768xf32, #tpu.memory_space<hbm>>
        tpu.enqueue_dma source(%dma_start3A_531 : memref<32x768xf32, #tpu.memory_space<hbm>>) target(%dma_start3A_527 : memref<32x768xf32, #tpu.memory_space<vmem>>) target_semaphore(%arg20 : memref<!tpu.dma_semaphore, #tpu.memory_space<semaphore_mem>>)
        %mul3A_532 = arith.constant 16 : i32
        %mul3A_533 = arith.muli %add3A_427, %mul3A_532 : i32
        %add3A_534 = arith.constant 8 : i32
        %add3A_535 = arith.addi %mul3A_533, %add3A_534 : i32
        %get3A_536 = arith.index_cast %add3A_535 : i32 to index
        %get3A_537 = memref.load %arg1[%get3A_536] : memref<1024xi32, #tpu.memory_space<smem>>
        %dma_start3A_538 = arith.constant 256 : i32
        %dma_start3A_539 = arith.constant 0 : i32
        %dma_start3A_540 = tpu.memref_slice %arg16[%dma_start3A_538, %dma_start3A_539] : memref<512x768xf32, #tpu.memory_space<vmem>> -> memref<32x768xf32, #tpu.memory_space<vmem>>
        %dma_start3A_541 = arith.constant 0 : i32
        %dma_start3A_542 = arith.constant 0 : i32
        %dma_start3A_543 = tpu.memref_slice %arg11[%get3A_537, %dma_start3A_541, %dma_start3A_542] : memref<1024x32x768xf32, #tpu.memory_space<hbm>> -> memref<1x32x768xf32, #tpu.memory_space<hbm>>
        %dma_start3A_544 = tpu.memref_squeeze %dma_start3A_543 : memref<1x32x768xf32, #tpu.memory_space<hbm>> -> memref<32x768xf32, #tpu.memory_space<hbm>>
        tpu.enqueue_dma source(%dma_start3A_544 : memref<32x768xf32, #tpu.memory_space<hbm>>) target(%dma_start3A_540 : memref<32x768xf32, #tpu.memory_space<vmem>>) target_semaphore(%arg20 : memref<!tpu.dma_semaphore, #tpu.memory_space<semaphore_mem>>)
        %mul3A_545 = arith.constant 16 : i32
        %mul3A_546 = arith.muli %add3A_427, %mul3A_545 : i32
        %add3A_547 = arith.constant 9 : i32
        %add3A_548 = arith.addi %mul3A_546, %add3A_547 : i32
        %get3A_549 = arith.index_cast %add3A_548 : i32 to index
        %get3A_550 = memref.load %arg1[%get3A_549] : memref<1024xi32, #tpu.memory_space<smem>>
        %dma_start3A_551 = arith.constant 288 : i32
        %dma_start3A_552 = arith.constant 0 : i32
        %dma_start3A_553 = tpu.memref_slice %arg16[%dma_start3A_551, %dma_start3A_552] : memref<512x768xf32, #tpu.memory_space<vmem>> -> memref<32x768xf32, #tpu.memory_space<vmem>>
        %dma_start3A_554 = arith.constant 0 : i32
        %dma_start3A_555 = arith.constant 0 : i32
        %dma_start3A_556 = tpu.memref_slice %arg11[%get3A_550, %dma_start3A_554, %dma_start3A_555] : memref<1024x32x768xf32, #tpu.memory_space<hbm>> -> memref<1x32x768xf32, #tpu.memory_space<hbm>>
        %dma_start3A_557 = tpu.memref_squeeze %dma_start3A_556 : memref<1x32x768xf32, #tpu.memory_space<hbm>> -> memref<32x768xf32, #tpu.memory_space<hbm>>
        tpu.enqueue_dma source(%dma_start3A_557 : memref<32x768xf32, #tpu.memory_space<hbm>>) target(%dma_start3A_553 : memref<32x768xf32, #tpu.memory_space<vmem>>) target_semaphore(%arg20 : memref<!tpu.dma_semaphore, #tpu.memory_space<semaphore_mem>>)
        %mul3A_558 = arith.constant 16 : i32
        %mul3A_559 = arith.muli %add3A_427, %mul3A_558 : i32
        %add3A_560 = arith.constant 10 : i32
        %add3A_561 = arith.addi %mul3A_559, %add3A_560 : i32
        %get3A_562 = arith.index_cast %add3A_561 : i32 to index
        %get3A_563 = memref.load %arg1[%get3A_562] : memref<1024xi32, #tpu.memory_space<smem>>
        %dma_start3A_564 = arith.constant 320 : i32
        %dma_start3A_565 = arith.constant 0 : i32
        %dma_start3A_566 = tpu.memref_slice %arg16[%dma_start3A_564, %dma_start3A_565] : memref<512x768xf32, #tpu.memory_space<vmem>> -> memref<32x768xf32, #tpu.memory_space<vmem>>
        %dma_start3A_567 = arith.constant 0 : i32
        %dma_start3A_568 = arith.constant 0 : i32
        %dma_start3A_569 = tpu.memref_slice %arg11[%get3A_563, %dma_start3A_567, %dma_start3A_568] : memref<1024x32x768xf32, #tpu.memory_space<hbm>> -> memref<1x32x768xf32, #tpu.memory_space<hbm>>
        %dma_start3A_570 = tpu.memref_squeeze %dma_start3A_569 : memref<1x32x768xf32, #tpu.memory_space<hbm>> -> memref<32x768xf32, #tpu.memory_space<hbm>>
        tpu.enqueue_dma source(%dma_start3A_570 : memref<32x768xf32, #tpu.memory_space<hbm>>) target(%dma_start3A_566 : memref<32x768xf32, #tpu.memory_space<vmem>>) target_semaphore(%arg20 : memref<!tpu.dma_semaphore, #tpu.memory_space<semaphore_mem>>)
        %mul3A_571 = arith.constant 16 : i32
        %mul3A_572 = arith.muli %add3A_427, %mul3A_571 : i32
        %add3A_573 = arith.constant 11 : i32
        %add3A_574 = arith.addi %mul3A_572, %add3A_573 : i32
        %get3A_575 = arith.index_cast %add3A_574 : i32 to index
        %get3A_576 = memref.load %arg1[%get3A_575] : memref<1024xi32, #tpu.memory_space<smem>>
        %dma_start3A_577 = arith.constant 352 : i32
        %dma_start3A_578 = arith.constant 0 : i32
        %dma_start3A_579 = tpu.memref_slice %arg16[%dma_start3A_577, %dma_start3A_578] : memref<512x768xf32, #tpu.memory_space<vmem>> -> memref<32x768xf32, #tpu.memory_space<vmem>>
        %dma_start3A_580 = arith.constant 0 : i32
        %dma_start3A_581 = arith.constant 0 : i32
        %dma_start3A_582 = tpu.memref_slice %arg11[%get3A_576, %dma_start3A_580, %dma_start3A_581] : memref<1024x32x768xf32, #tpu.memory_space<hbm>> -> memref<1x32x768xf32, #tpu.memory_space<hbm>>
        %dma_start3A_583 = tpu.memref_squeeze %dma_start3A_582 : memref<1x32x768xf32, #tpu.memory_space<hbm>> -> memref<32x768xf32, #tpu.memory_space<hbm>>
        tpu.enqueue_dma source(%dma_start3A_583 : memref<32x768xf32, #tpu.memory_space<hbm>>) target(%dma_start3A_579 : memref<32x768xf32, #tpu.memory_space<vmem>>) target_semaphore(%arg20 : memref<!tpu.dma_semaphore, #tpu.memory_space<semaphore_mem>>)
        %mul3A_584 = arith.constant 16 : i32
        %mul3A_585 = arith.muli %add3A_427, %mul3A_584 : i32
        %add3A_586 = arith.constant 12 : i32
        %add3A_587 = arith.addi %mul3A_585, %add3A_586 : i32
        %get3A_588 = arith.index_cast %add3A_587 : i32 to index
        %get3A_589 = memref.load %arg1[%get3A_588] : memref<1024xi32, #tpu.memory_space<smem>>
        %dma_start3A_590 = arith.constant 384 : i32
        %dma_start3A_591 = arith.constant 0 : i32
        %dma_start3A_592 = tpu.memref_slice %arg16[%dma_start3A_590, %dma_start3A_591] : memref<512x768xf32, #tpu.memory_space<vmem>> -> memref<32x768xf32, #tpu.memory_space<vmem>>
        %dma_start3A_593 = arith.constant 0 : i32
        %dma_start3A_594 = arith.constant 0 : i32
        %dma_start3A_595 = tpu.memref_slice %arg11[%get3A_589, %dma_start3A_593, %dma_start3A_594] : memref<1024x32x768xf32, #tpu.memory_space<hbm>> -> memref<1x32x768xf32, #tpu.memory_space<hbm>>
        %dma_start3A_596 = tpu.memref_squeeze %dma_start3A_595 : memref<1x32x768xf32, #tpu.memory_space<hbm>> -> memref<32x768xf32, #tpu.memory_space<hbm>>
        tpu.enqueue_dma source(%dma_start3A_596 : memref<32x768xf32, #tpu.memory_space<hbm>>) target(%dma_start3A_592 : memref<32x768xf32, #tpu.memory_space<vmem>>) target_semaphore(%arg20 : memref<!tpu.dma_semaphore, #tpu.memory_space<semaphore_mem>>)
        %mul3A_597 = arith.constant 16 : i32
        %mul3A_598 = arith.muli %add3A_427, %mul3A_597 : i32
        %add3A_599 = arith.constant 13 : i32
        %add3A_600 = arith.addi %mul3A_598, %add3A_599 : i32
        %get3A_601 = arith.index_cast %add3A_600 : i32 to index
        %get3A_602 = memref.load %arg1[%get3A_601] : memref<1024xi32, #tpu.memory_space<smem>>
        %dma_start3A_603 = arith.constant 416 : i32
        %dma_start3A_604 = arith.constant 0 : i32
        %dma_start3A_605 = tpu.memref_slice %arg16[%dma_start3A_603, %dma_start3A_604] : memref<512x768xf32, #tpu.memory_space<vmem>> -> memref<32x768xf32, #tpu.memory_space<vmem>>
        %dma_start3A_606 = arith.constant 0 : i32
        %dma_start3A_607 = arith.constant 0 : i32
        %dma_start3A_608 = tpu.memref_slice %arg11[%get3A_602, %dma_start3A_606, %dma_start3A_607] : memref<1024x32x768xf32, #tpu.memory_space<hbm>> -> memref<1x32x768xf32, #tpu.memory_space<hbm>>
        %dma_start3A_609 = tpu.memref_squeeze %dma_start3A_608 : memref<1x32x768xf32, #tpu.memory_space<hbm>> -> memref<32x768xf32, #tpu.memory_space<hbm>>
        tpu.enqueue_dma source(%dma_start3A_609 : memref<32x768xf32, #tpu.memory_space<hbm>>) target(%dma_start3A_605 : memref<32x768xf32, #tpu.memory_space<vmem>>) target_semaphore(%arg20 : memref<!tpu.dma_semaphore, #tpu.memory_space<semaphore_mem>>)
        %mul3A_610 = arith.constant 16 : i32
        %mul3A_611 = arith.muli %add3A_427, %mul3A_610 : i32
        %add3A_612 = arith.constant 14 : i32
        %add3A_613 = arith.addi %mul3A_611, %add3A_612 : i32
        %get3A_614 = arith.index_cast %add3A_613 : i32 to index
        %get3A_615 = memref.load %arg1[%get3A_614] : memref<1024xi32, #tpu.memory_space<smem>>
        %dma_start3A_616 = arith.constant 448 : i32
        %dma_start3A_617 = arith.constant 0 : i32
        %dma_start3A_618 = tpu.memref_slice %arg16[%dma_start3A_616, %dma_start3A_617] : memref<512x768xf32, #tpu.memory_space<vmem>> -> memref<32x768xf32, #tpu.memory_space<vmem>>
        %dma_start3A_619 = arith.constant 0 : i32
        %dma_start3A_620 = arith.constant 0 : i32
        %dma_start3A_621 = tpu.memref_slice %arg11[%get3A_615, %dma_start3A_619, %dma_start3A_620] : memref<1024x32x768xf32, #tpu.memory_space<hbm>> -> memref<1x32x768xf32, #tpu.memory_space<hbm>>
        %dma_start3A_622 = tpu.memref_squeeze %dma_start3A_621 : memref<1x32x768xf32, #tpu.memory_space<hbm>> -> memref<32x768xf32, #tpu.memory_space<hbm>>
        tpu.enqueue_dma source(%dma_start3A_622 : memref<32x768xf32, #tpu.memory_space<hbm>>) target(%dma_start3A_618 : memref<32x768xf32, #tpu.memory_space<vmem>>) target_semaphore(%arg20 : memref<!tpu.dma_semaphore, #tpu.memory_space<semaphore_mem>>)
        %mul3A_623 = arith.constant 16 : i32
        %mul3A_624 = arith.muli %add3A_427, %mul3A_623 : i32
        %add3A_625 = arith.constant 15 : i32
        %add3A_626 = arith.addi %mul3A_624, %add3A_625 : i32
        %get3A_627 = arith.index_cast %add3A_626 : i32 to index
        %get3A_628 = memref.load %arg1[%get3A_627] : memref<1024xi32, #tpu.memory_space<smem>>
        %dma_start3A_629 = arith.constant 480 : i32
        %dma_start3A_630 = arith.constant 0 : i32
        %dma_start3A_631 = tpu.memref_slice %arg16[%dma_start3A_629, %dma_start3A_630] : memref<512x768xf32, #tpu.memory_space<vmem>> -> memref<32x768xf32, #tpu.memory_space<vmem>>
        %dma_start3A_632 = arith.constant 0 : i32
        %dma_start3A_633 = arith.constant 0 : i32
        %dma_start3A_634 = tpu.memref_slice %arg11[%get3A_628, %dma_start3A_632, %dma_start3A_633] : memref<1024x32x768xf32, #tpu.memory_space<hbm>> -> memref<1x32x768xf32, #tpu.memory_space<hbm>>
        %dma_start3A_635 = tpu.memref_squeeze %dma_start3A_634 : memref<1x32x768xf32, #tpu.memory_space<hbm>> -> memref<32x768xf32, #tpu.memory_space<hbm>>
        tpu.enqueue_dma source(%dma_start3A_635 : memref<32x768xf32, #tpu.memory_space<hbm>>) target(%dma_start3A_631 : memref<32x768xf32, #tpu.memory_space<vmem>>) target_semaphore(%arg20 : memref<!tpu.dma_semaphore, #tpu.memory_space<semaphore_mem>>)
      } else {
      }
      %add3A_402 = arith.constant 1 : i32
      %add3A_403 = arith.addi %while3A_394, %add3A_402 : i32
      %lt3A_404 = arith.cmpi slt, %add3A_403, %get3A_11 : i32
      %not3A = arith.constant true
      %not3A_405 = arith.xori %eq3A_397, %not3A : i1
      %and3A_406 = arith.andi %lt3A_404, %not3A_405 : i1
      %convert_element_type3A_407 = arith.extui %and3A_406 : i1 to i32
      %cond3A_408 = arith.constant 0 : i32
      %cond3A_409 = arith.cmpi ne, %convert_element_type3A_407, %cond3A_408 : i32
      scf.if %cond3A_409 {
        %add3A_426 = arith.constant 1 : i32
        %add3A_427 = arith.addi %while3A_394, %add3A_426 : i32
        %mul3A_428 = arith.constant 16 : i32
        %mul3A_429 = arith.muli %add3A_427, %mul3A_428 : i32
        %add3A_430 = arith.constant 0 : i32
        %add3A_431 = arith.addi %mul3A_429, %add3A_430 : i32
        %get3A_432 = arith.index_cast %add3A_431 : i32 to index
        %get3A_433 = memref.load %arg1[%get3A_432] : memref<1024xi32, #tpu.memory_space<smem>>
        %dma_start3A_434 = arith.constant 0 : i32
        %dma_start3A_435 = arith.constant 0 : i32
        %dma_start3A_436 = tpu.memref_slice %arg15[%dma_start3A_434, %dma_start3A_435] : memref<512x768xf32, #tpu.memory_space<vmem>> -> memref<32x768xf32, #tpu.memory_space<vmem>>
        %dma_start3A_437 = arith.constant 0 : i32
        %dma_start3A_438 = arith.constant 0 : i32
        %dma_start3A_439 = tpu.memref_slice %arg11[%get3A_433, %dma_start3A_437, %dma_start3A_438] : memref<1024x32x768xf32, #tpu.memory_space<hbm>> -> memref<1x32x768xf32, #tpu.memory_space<hbm>>
        %dma_start3A_440 = tpu.memref_squeeze %dma_start3A_439 : memref<1x32x768xf32, #tpu.memory_space<hbm>> -> memref<32x768xf32, #tpu.memory_space<hbm>>
        tpu.enqueue_dma source(%dma_start3A_440 : memref<32x768xf32, #tpu.memory_space<hbm>>) target(%dma_start3A_436 : memref<32x768xf32, #tpu.memory_space<vmem>>) target_semaphore(%arg19 : memref<!tpu.dma_semaphore, #tpu.memory_space<semaphore_mem>>)
        %mul3A_441 = arith.constant 16 : i32
        %mul3A_442 = arith.muli %add3A_427, %mul3A_441 : i32
        %add3A_443 = arith.constant 1 : i32
        %add3A_444 = arith.addi %mul3A_442, %add3A_443 : i32
        %get3A_445 = arith.index_cast %add3A_444 : i32 to index
        %get3A_446 = memref.load %arg1[%get3A_445] : memref<1024xi32, #tpu.memory_space<smem>>
        %dma_start3A_447 = arith.constant 32 : i32
        %dma_start3A_448 = arith.constant 0 : i32
        %dma_start3A_449 = tpu.memref_slice %arg15[%dma_start3A_447, %dma_start3A_448] : memref<512x768xf32, #tpu.memory_space<vmem>> -> memref<32x768xf32, #tpu.memory_space<vmem>>
        %dma_start3A_450 = arith.constant 0 : i32
        %dma_start3A_451 = arith.constant 0 : i32
        %dma_start3A_452 = tpu.memref_slice %arg11[%get3A_446, %dma_start3A_450, %dma_start3A_451] : memref<1024x32x768xf32, #tpu.memory_space<hbm>> -> memref<1x32x768xf32, #tpu.memory_space<hbm>>
        %dma_start3A_453 = tpu.memref_squeeze %dma_start3A_452 : memref<1x32x768xf32, #tpu.memory_space<hbm>> -> memref<32x768xf32, #tpu.memory_space<hbm>>
        tpu.enqueue_dma source(%dma_start3A_453 : memref<32x768xf32, #tpu.memory_space<hbm>>) target(%dma_start3A_449 : memref<32x768xf32, #tpu.memory_space<vmem>>) target_semaphore(%arg19 : memref<!tpu.dma_semaphore, #tpu.memory_space<semaphore_mem>>)
        %mul3A_454 = arith.constant 16 : i32
        %mul3A_455 = arith.muli %add3A_427, %mul3A_454 : i32
        %add3A_456 = arith.constant 2 : i32
        %add3A_457 = arith.addi %mul3A_455, %add3A_456 : i32
        %get3A_458 = arith.index_cast %add3A_457 : i32 to index
        %get3A_459 = memref.load %arg1[%get3A_458] : memref<1024xi32, #tpu.memory_space<smem>>
        %dma_start3A_460 = arith.constant 64 : i32
        %dma_start3A_461 = arith.constant 0 : i32
        %dma_start3A_462 = tpu.memref_slice %arg15[%dma_start3A_460, %dma_start3A_461] : memref<512x768xf32, #tpu.memory_space<vmem>> -> memref<32x768xf32, #tpu.memory_space<vmem>>
        %dma_start3A_463 = arith.constant 0 : i32
        %dma_start3A_464 = arith.constant 0 : i32
        %dma_start3A_465 = tpu.memref_slice %arg11[%get3A_459, %dma_start3A_463, %dma_start3A_464] : memref<1024x32x768xf32, #tpu.memory_space<hbm>> -> memref<1x32x768xf32, #tpu.memory_space<hbm>>
        %dma_start3A_466 = tpu.memref_squeeze %dma_start3A_465 : memref<1x32x768xf32, #tpu.memory_space<hbm>> -> memref<32x768xf32, #tpu.memory_space<hbm>>
        tpu.enqueue_dma source(%dma_start3A_466 : memref<32x768xf32, #tpu.memory_space<hbm>>) target(%dma_start3A_462 : memref<32x768xf32, #tpu.memory_space<vmem>>) target_semaphore(%arg19 : memref<!tpu.dma_semaphore, #tpu.memory_space<semaphore_mem>>)
        %mul3A_467 = arith.constant 16 : i32
        %mul3A_468 = arith.muli %add3A_427, %mul3A_467 : i32
        %add3A_469 = arith.constant 3 : i32
        %add3A_470 = arith.addi %mul3A_468, %add3A_469 : i32
        %get3A_471 = arith.index_cast %add3A_470 : i32 to index
        %get3A_472 = memref.load %arg1[%get3A_471] : memref<1024xi32, #tpu.memory_space<smem>>
        %dma_start3A_473 = arith.constant 96 : i32
        %dma_start3A_474 = arith.constant 0 : i32
        %dma_start3A_475 = tpu.memref_slice %arg15[%dma_start3A_473, %dma_start3A_474] : memref<512x768xf32, #tpu.memory_space<vmem>> -> memref<32x768xf32, #tpu.memory_space<vmem>>
        %dma_start3A_476 = arith.constant 0 : i32
        %dma_start3A_477 = arith.constant 0 : i32
        %dma_start3A_478 = tpu.memref_slice %arg11[%get3A_472, %dma_start3A_476, %dma_start3A_477] : memref<1024x32x768xf32, #tpu.memory_space<hbm>> -> memref<1x32x768xf32, #tpu.memory_space<hbm>>
        %dma_start3A_479 = tpu.memref_squeeze %dma_start3A_478 : memref<1x32x768xf32, #tpu.memory_space<hbm>> -> memref<32x768xf32, #tpu.memory_space<hbm>>
        tpu.enqueue_dma source(%dma_start3A_479 : memref<32x768xf32, #tpu.memory_space<hbm>>) target(%dma_start3A_475 : memref<32x768xf32, #tpu.memory_space<vmem>>) target_semaphore(%arg19 : memref<!tpu.dma_semaphore, #tpu.memory_space<semaphore_mem>>)
        %mul3A_480 = arith.constant 16 : i32
        %mul3A_481 = arith.muli %add3A_427, %mul3A_480 : i32
        %add3A_482 = arith.constant 4 : i32
        %add3A_483 = arith.addi %mul3A_481, %add3A_482 : i32
        %get3A_484 = arith.index_cast %add3A_483 : i32 to index
        %get3A_485 = memref.load %arg1[%get3A_484] : memref<1024xi32, #tpu.memory_space<smem>>
        %dma_start3A_486 = arith.constant 128 : i32
        %dma_start3A_487 = arith.constant 0 : i32
        %dma_start3A_488 = tpu.memref_slice %arg15[%dma_start3A_486, %dma_start3A_487] : memref<512x768xf32, #tpu.memory_space<vmem>> -> memref<32x768xf32, #tpu.memory_space<vmem>>
        %dma_start3A_489 = arith.constant 0 : i32
        %dma_start3A_490 = arith.constant 0 : i32
        %dma_start3A_491 = tpu.memref_slice %arg11[%get3A_485, %dma_start3A_489, %dma_start3A_490] : memref<1024x32x768xf32, #tpu.memory_space<hbm>> -> memref<1x32x768xf32, #tpu.memory_space<hbm>>
        %dma_start3A_492 = tpu.memref_squeeze %dma_start3A_491 : memref<1x32x768xf32, #tpu.memory_space<hbm>> -> memref<32x768xf32, #tpu.memory_space<hbm>>
        tpu.enqueue_dma source(%dma_start3A_492 : memref<32x768xf32, #tpu.memory_space<hbm>>) target(%dma_start3A_488 : memref<32x768xf32, #tpu.memory_space<vmem>>) target_semaphore(%arg19 : memref<!tpu.dma_semaphore, #tpu.memory_space<semaphore_mem>>)
        %mul3A_493 = arith.constant 16 : i32
        %mul3A_494 = arith.muli %add3A_427, %mul3A_493 : i32
        %add3A_495 = arith.constant 5 : i32
        %add3A_496 = arith.addi %mul3A_494, %add3A_495 : i32
        %get3A_497 = arith.index_cast %add3A_496 : i32 to index
        %get3A_498 = memref.load %arg1[%get3A_497] : memref<1024xi32, #tpu.memory_space<smem>>
        %dma_start3A_499 = arith.constant 160 : i32
        %dma_start3A_500 = arith.constant 0 : i32
        %dma_start3A_501 = tpu.memref_slice %arg15[%dma_start3A_499, %dma_start3A_500] : memref<512x768xf32, #tpu.memory_space<vmem>> -> memref<32x768xf32, #tpu.memory_space<vmem>>
        %dma_start3A_502 = arith.constant 0 : i32
        %dma_start3A_503 = arith.constant 0 : i32
        %dma_start3A_504 = tpu.memref_slice %arg11[%get3A_498, %dma_start3A_502, %dma_start3A_503] : memref<1024x32x768xf32, #tpu.memory_space<hbm>> -> memref<1x32x768xf32, #tpu.memory_space<hbm>>
        %dma_start3A_505 = tpu.memref_squeeze %dma_start3A_504 : memref<1x32x768xf32, #tpu.memory_space<hbm>> -> memref<32x768xf32, #tpu.memory_space<hbm>>
        tpu.enqueue_dma source(%dma_start3A_505 : memref<32x768xf32, #tpu.memory_space<hbm>>) target(%dma_start3A_501 : memref<32x768xf32, #tpu.memory_space<vmem>>) target_semaphore(%arg19 : memref<!tpu.dma_semaphore, #tpu.memory_space<semaphore_mem>>)
        %mul3A_506 = arith.constant 16 : i32
        %mul3A_507 = arith.muli %add3A_427, %mul3A_506 : i32
        %add3A_508 = arith.constant 6 : i32
        %add3A_509 = arith.addi %mul3A_507, %add3A_508 : i32
        %get3A_510 = arith.index_cast %add3A_509 : i32 to index
        %get3A_511 = memref.load %arg1[%get3A_510] : memref<1024xi32, #tpu.memory_space<smem>>
        %dma_start3A_512 = arith.constant 192 : i32
        %dma_start3A_513 = arith.constant 0 : i32
        %dma_start3A_514 = tpu.memref_slice %arg15[%dma_start3A_512, %dma_start3A_513] : memref<512x768xf32, #tpu.memory_space<vmem>> -> memref<32x768xf32, #tpu.memory_space<vmem>>
        %dma_start3A_515 = arith.constant 0 : i32
        %dma_start3A_516 = arith.constant 0 : i32
        %dma_start3A_517 = tpu.memref_slice %arg11[%get3A_511, %dma_start3A_515, %dma_start3A_516] : memref<1024x32x768xf32, #tpu.memory_space<hbm>> -> memref<1x32x768xf32, #tpu.memory_space<hbm>>
        %dma_start3A_518 = tpu.memref_squeeze %dma_start3A_517 : memref<1x32x768xf32, #tpu.memory_space<hbm>> -> memref<32x768xf32, #tpu.memory_space<hbm>>
        tpu.enqueue_dma source(%dma_start3A_518 : memref<32x768xf32, #tpu.memory_space<hbm>>) target(%dma_start3A_514 : memref<32x768xf32, #tpu.memory_space<vmem>>) target_semaphore(%arg19 : memref<!tpu.dma_semaphore, #tpu.memory_space<semaphore_mem>>)
        %mul3A_519 = arith.constant 16 : i32
        %mul3A_520 = arith.muli %add3A_427, %mul3A_519 : i32
        %add3A_521 = arith.constant 7 : i32
        %add3A_522 = arith.addi %mul3A_520, %add3A_521 : i32
        %get3A_523 = arith.index_cast %add3A_522 : i32 to index
        %get3A_524 = memref.load %arg1[%get3A_523] : memref<1024xi32, #tpu.memory_space<smem>>
        %dma_start3A_525 = arith.constant 224 : i32
        %dma_start3A_526 = arith.constant 0 : i32
        %dma_start3A_527 = tpu.memref_slice %arg15[%dma_start3A_525, %dma_start3A_526] : memref<512x768xf32, #tpu.memory_space<vmem>> -> memref<32x768xf32, #tpu.memory_space<vmem>>
        %dma_start3A_528 = arith.constant 0 : i32
        %dma_start3A_529 = arith.constant 0 : i32
        %dma_start3A_530 = tpu.memref_slice %arg11[%get3A_524, %dma_start3A_528, %dma_start3A_529] : memref<1024x32x768xf32, #tpu.memory_space<hbm>> -> memref<1x32x768xf32, #tpu.memory_space<hbm>>
        %dma_start3A_531 = tpu.memref_squeeze %dma_start3A_530 : memref<1x32x768xf32, #tpu.memory_space<hbm>> -> memref<32x768xf32, #tpu.memory_space<hbm>>
        tpu.enqueue_dma source(%dma_start3A_531 : memref<32x768xf32, #tpu.memory_space<hbm>>) target(%dma_start3A_527 : memref<32x768xf32, #tpu.memory_space<vmem>>) target_semaphore(%arg19 : memref<!tpu.dma_semaphore, #tpu.memory_space<semaphore_mem>>)
        %mul3A_532 = arith.constant 16 : i32
        %mul3A_533 = arith.muli %add3A_427, %mul3A_532 : i32
        %add3A_534 = arith.constant 8 : i32
        %add3A_535 = arith.addi %mul3A_533, %add3A_534 : i32
        %get3A_536 = arith.index_cast %add3A_535 : i32 to index
        %get3A_537 = memref.load %arg1[%get3A_536] : memref<1024xi32, #tpu.memory_space<smem>>
        %dma_start3A_538 = arith.constant 256 : i32
        %dma_start3A_539 = arith.constant 0 : i32
        %dma_start3A_540 = tpu.memref_slice %arg15[%dma_start3A_538, %dma_start3A_539] : memref<512x768xf32, #tpu.memory_space<vmem>> -> memref<32x768xf32, #tpu.memory_space<vmem>>
        %dma_start3A_541 = arith.constant 0 : i32
        %dma_start3A_542 = arith.constant 0 : i32
        %dma_start3A_543 = tpu.memref_slice %arg11[%get3A_537, %dma_start3A_541, %dma_start3A_542] : memref<1024x32x768xf32, #tpu.memory_space<hbm>> -> memref<1x32x768xf32, #tpu.memory_space<hbm>>
        %dma_start3A_544 = tpu.memref_squeeze %dma_start3A_543 : memref<1x32x768xf32, #tpu.memory_space<hbm>> -> memref<32x768xf32, #tpu.memory_space<hbm>>
        tpu.enqueue_dma source(%dma_start3A_544 : memref<32x768xf32, #tpu.memory_space<hbm>>) target(%dma_start3A_540 : memref<32x768xf32, #tpu.memory_space<vmem>>) target_semaphore(%arg19 : memref<!tpu.dma_semaphore, #tpu.memory_space<semaphore_mem>>)
        %mul3A_545 = arith.constant 16 : i32
        %mul3A_546 = arith.muli %add3A_427, %mul3A_545 : i32
        %add3A_547 = arith.constant 9 : i32
        %add3A_548 = arith.addi %mul3A_546, %add3A_547 : i32
        %get3A_549 = arith.index_cast %add3A_548 : i32 to index
        %get3A_550 = memref.load %arg1[%get3A_549] : memref<1024xi32, #tpu.memory_space<smem>>
        %dma_start3A_551 = arith.constant 288 : i32
        %dma_start3A_552 = arith.constant 0 : i32
        %dma_start3A_553 = tpu.memref_slice %arg15[%dma_start3A_551, %dma_start3A_552] : memref<512x768xf32, #tpu.memory_space<vmem>> -> memref<32x768xf32, #tpu.memory_space<vmem>>
        %dma_start3A_554 = arith.constant 0 : i32
        %dma_start3A_555 = arith.constant 0 : i32
        %dma_start3A_556 = tpu.memref_slice %arg11[%get3A_550, %dma_start3A_554, %dma_start3A_555] : memref<1024x32x768xf32, #tpu.memory_space<hbm>> -> memref<1x32x768xf32, #tpu.memory_space<hbm>>
        %dma_start3A_557 = tpu.memref_squeeze %dma_start3A_556 : memref<1x32x768xf32, #tpu.memory_space<hbm>> -> memref<32x768xf32, #tpu.memory_space<hbm>>
        tpu.enqueue_dma source(%dma_start3A_557 : memref<32x768xf32, #tpu.memory_space<hbm>>) target(%dma_start3A_553 : memref<32x768xf32, #tpu.memory_space<vmem>>) target_semaphore(%arg19 : memref<!tpu.dma_semaphore, #tpu.memory_space<semaphore_mem>>)
        %mul3A_558 = arith.constant 16 : i32
        %mul3A_559 = arith.muli %add3A_427, %mul3A_558 : i32
        %add3A_560 = arith.constant 10 : i32
        %add3A_561 = arith.addi %mul3A_559, %add3A_560 : i32
        %get3A_562 = arith.index_cast %add3A_561 : i32 to index
        %get3A_563 = memref.load %arg1[%get3A_562] : memref<1024xi32, #tpu.memory_space<smem>>
        %dma_start3A_564 = arith.constant 320 : i32
        %dma_start3A_565 = arith.constant 0 : i32
        %dma_start3A_566 = tpu.memref_slice %arg15[%dma_start3A_564, %dma_start3A_565] : memref<512x768xf32, #tpu.memory_space<vmem>> -> memref<32x768xf32, #tpu.memory_space<vmem>>
        %dma_start3A_567 = arith.constant 0 : i32
        %dma_start3A_568 = arith.constant 0 : i32
        %dma_start3A_569 = tpu.memref_slice %arg11[%get3A_563, %dma_start3A_567, %dma_start3A_568] : memref<1024x32x768xf32, #tpu.memory_space<hbm>> -> memref<1x32x768xf32, #tpu.memory_space<hbm>>
        %dma_start3A_570 = tpu.memref_squeeze %dma_start3A_569 : memref<1x32x768xf32, #tpu.memory_space<hbm>> -> memref<32x768xf32, #tpu.memory_space<hbm>>
        tpu.enqueue_dma source(%dma_start3A_570 : memref<32x768xf32, #tpu.memory_space<hbm>>) target(%dma_start3A_566 : memref<32x768xf32, #tpu.memory_space<vmem>>) target_semaphore(%arg19 : memref<!tpu.dma_semaphore, #tpu.memory_space<semaphore_mem>>)
        %mul3A_571 = arith.constant 16 : i32
        %mul3A_572 = arith.muli %add3A_427, %mul3A_571 : i32
        %add3A_573 = arith.constant 11 : i32
        %add3A_574 = arith.addi %mul3A_572, %add3A_573 : i32
        %get3A_575 = arith.index_cast %add3A_574 : i32 to index
        %get3A_576 = memref.load %arg1[%get3A_575] : memref<1024xi32, #tpu.memory_space<smem>>
        %dma_start3A_577 = arith.constant 352 : i32
        %dma_start3A_578 = arith.constant 0 : i32
        %dma_start3A_579 = tpu.memref_slice %arg15[%dma_start3A_577, %dma_start3A_578] : memref<512x768xf32, #tpu.memory_space<vmem>> -> memref<32x768xf32, #tpu.memory_space<vmem>>
        %dma_start3A_580 = arith.constant 0 : i32
        %dma_start3A_581 = arith.constant 0 : i32
        %dma_start3A_582 = tpu.memref_slice %arg11[%get3A_576, %dma_start3A_580, %dma_start3A_581] : memref<1024x32x768xf32, #tpu.memory_space<hbm>> -> memref<1x32x768xf32, #tpu.memory_space<hbm>>
        %dma_start3A_583 = tpu.memref_squeeze %dma_start3A_582 : memref<1x32x768xf32, #tpu.memory_space<hbm>> -> memref<32x768xf32, #tpu.memory_space<hbm>>
        tpu.enqueue_dma source(%dma_start3A_583 : memref<32x768xf32, #tpu.memory_space<hbm>>) target(%dma_start3A_579 : memref<32x768xf32, #tpu.memory_space<vmem>>) target_semaphore(%arg19 : memref<!tpu.dma_semaphore, #tpu.memory_space<semaphore_mem>>)
        %mul3A_584 = arith.constant 16 : i32
        %mul3A_585 = arith.muli %add3A_427, %mul3A_584 : i32
        %add3A_586 = arith.constant 12 : i32
        %add3A_587 = arith.addi %mul3A_585, %add3A_586 : i32
        %get3A_588 = arith.index_cast %add3A_587 : i32 to index
        %get3A_589 = memref.load %arg1[%get3A_588] : memref<1024xi32, #tpu.memory_space<smem>>
        %dma_start3A_590 = arith.constant 384 : i32
        %dma_start3A_591 = arith.constant 0 : i32
        %dma_start3A_592 = tpu.memref_slice %arg15[%dma_start3A_590, %dma_start3A_591] : memref<512x768xf32, #tpu.memory_space<vmem>> -> memref<32x768xf32, #tpu.memory_space<vmem>>
        %dma_start3A_593 = arith.constant 0 : i32
        %dma_start3A_594 = arith.constant 0 : i32
        %dma_start3A_595 = tpu.memref_slice %arg11[%get3A_589, %dma_start3A_593, %dma_start3A_594] : memref<1024x32x768xf32, #tpu.memory_space<hbm>> -> memref<1x32x768xf32, #tpu.memory_space<hbm>>
        %dma_start3A_596 = tpu.memref_squeeze %dma_start3A_595 : memref<1x32x768xf32, #tpu.memory_space<hbm>> -> memref<32x768xf32, #tpu.memory_space<hbm>>
        tpu.enqueue_dma source(%dma_start3A_596 : memref<32x768xf32, #tpu.memory_space<hbm>>) target(%dma_start3A_592 : memref<32x768xf32, #tpu.memory_space<vmem>>) target_semaphore(%arg19 : memref<!tpu.dma_semaphore, #tpu.memory_space<semaphore_mem>>)
        %mul3A_597 = arith.constant 16 : i32
        %mul3A_598 = arith.muli %add3A_427, %mul3A_597 : i32
        %add3A_599 = arith.constant 13 : i32
        %add3A_600 = arith.addi %mul3A_598, %add3A_599 : i32
        %get3A_601 = arith.index_cast %add3A_600 : i32 to index
        %get3A_602 = memref.load %arg1[%get3A_601] : memref<1024xi32, #tpu.memory_space<smem>>
        %dma_start3A_603 = arith.constant 416 : i32
        %dma_start3A_604 = arith.constant 0 : i32
        %dma_start3A_605 = tpu.memref_slice %arg15[%dma_start3A_603, %dma_start3A_604] : memref<512x768xf32, #tpu.memory_space<vmem>> -> memref<32x768xf32, #tpu.memory_space<vmem>>
        %dma_start3A_606 = arith.constant 0 : i32
        %dma_start3A_607 = arith.constant 0 : i32
        %dma_start3A_608 = tpu.memref_slice %arg11[%get3A_602, %dma_start3A_606, %dma_start3A_607] : memref<1024x32x768xf32, #tpu.memory_space<hbm>> -> memref<1x32x768xf32, #tpu.memory_space<hbm>>
        %dma_start3A_609 = tpu.memref_squeeze %dma_start3A_608 : memref<1x32x768xf32, #tpu.memory_space<hbm>> -> memref<32x768xf32, #tpu.memory_space<hbm>>
        tpu.enqueue_dma source(%dma_start3A_609 : memref<32x768xf32, #tpu.memory_space<hbm>>) target(%dma_start3A_605 : memref<32x768xf32, #tpu.memory_space<vmem>>) target_semaphore(%arg19 : memref<!tpu.dma_semaphore, #tpu.memory_space<semaphore_mem>>)
        %mul3A_610 = arith.constant 16 : i32
        %mul3A_611 = arith.muli %add3A_427, %mul3A_610 : i32
        %add3A_612 = arith.constant 14 : i32
        %add3A_613 = arith.addi %mul3A_611, %add3A_612 : i32
        %get3A_614 = arith.index_cast %add3A_613 : i32 to index
        %get3A_615 = memref.load %arg1[%get3A_614] : memref<1024xi32, #tpu.memory_space<smem>>
        %dma_start3A_616 = arith.constant 448 : i32
        %dma_start3A_617 = arith.constant 0 : i32
        %dma_start3A_618 = tpu.memref_slice %arg15[%dma_start3A_616, %dma_start3A_617] : memref<512x768xf32, #tpu.memory_space<vmem>> -> memref<32x768xf32, #tpu.memory_space<vmem>>
        %dma_start3A_619 = arith.constant 0 : i32
        %dma_start3A_620 = arith.constant 0 : i32
        %dma_start3A_621 = tpu.memref_slice %arg11[%get3A_615, %dma_start3A_619, %dma_start3A_620] : memref<1024x32x768xf32, #tpu.memory_space<hbm>> -> memref<1x32x768xf32, #tpu.memory_space<hbm>>
        %dma_start3A_622 = tpu.memref_squeeze %dma_start3A_621 : memref<1x32x768xf32, #tpu.memory_space<hbm>> -> memref<32x768xf32, #tpu.memory_space<hbm>>
        tpu.enqueue_dma source(%dma_start3A_622 : memref<32x768xf32, #tpu.memory_space<hbm>>) target(%dma_start3A_618 : memref<32x768xf32, #tpu.memory_space<vmem>>) target_semaphore(%arg19 : memref<!tpu.dma_semaphore, #tpu.memory_space<semaphore_mem>>)
        %mul3A_623 = arith.constant 16 : i32
        %mul3A_624 = arith.muli %add3A_427, %mul3A_623 : i32
        %add3A_625 = arith.constant 15 : i32
        %add3A_626 = arith.addi %mul3A_624, %add3A_625 : i32
        %get3A_627 = arith.index_cast %add3A_626 : i32 to index
        %get3A_628 = memref.load %arg1[%get3A_627] : memref<1024xi32, #tpu.memory_space<smem>>
        %dma_start3A_629 = arith.constant 480 : i32
        %dma_start3A_630 = arith.constant 0 : i32
        %dma_start3A_631 = tpu.memref_slice %arg15[%dma_start3A_629, %dma_start3A_630] : memref<512x768xf32, #tpu.memory_space<vmem>> -> memref<32x768xf32, #tpu.memory_space<vmem>>
        %dma_start3A_632 = arith.constant 0 : i32
        %dma_start3A_633 = arith.constant 0 : i32
        %dma_start3A_634 = tpu.memref_slice %arg11[%get3A_628, %dma_start3A_632, %dma_start3A_633] : memref<1024x32x768xf32, #tpu.memory_space<hbm>> -> memref<1x32x768xf32, #tpu.memory_space<hbm>>
        %dma_start3A_635 = tpu.memref_squeeze %dma_start3A_634 : memref<1x32x768xf32, #tpu.memory_space<hbm>> -> memref<32x768xf32, #tpu.memory_space<hbm>>
        tpu.enqueue_dma source(%dma_start3A_635 : memref<32x768xf32, #tpu.memory_space<hbm>>) target(%dma_start3A_631 : memref<32x768xf32, #tpu.memory_space<vmem>>) target_semaphore(%arg19 : memref<!tpu.dma_semaphore, #tpu.memory_space<semaphore_mem>>)
      } else {
      }
      %convert_element_type3A_410 = arith.extui %eq3A_397 : i1 to i32
      %cond3A_411 = arith.constant 0 : i32
      %cond3A_412 = arith.cmpi ne, %convert_element_type3A_410, %cond3A_411 : i32
      scf.if %cond3A_412 {
        %dma_wait3A = arith.constant 0 : i32
        %dma_wait3A_426 = arith.constant 0 : i32
        %dma_wait3A_427 = arith.constant 0 : i32
        %dma_wait3A_428 = tpu.memref_slice %arg11[%dma_wait3A, %dma_wait3A_426, %dma_wait3A_427] : memref<1024x32x768xf32, #tpu.memory_space<hbm>> -> memref<1x32x768xf32, #tpu.memory_space<hbm>>
        %dma_wait3A_429 = tpu.memref_squeeze %dma_wait3A_428 : memref<1x32x768xf32, #tpu.memory_space<hbm>> -> memref<32x768xf32, #tpu.memory_space<hbm>>
        tpu.wait_dma2 semaphore(%arg19 : memref<!tpu.dma_semaphore, #tpu.memory_space<semaphore_mem>>) src(%dma_wait3A_429 : memref<32x768xf32, #tpu.memory_space<hbm>>) dst(%arg15 : memref<512x768xf32, #tpu.memory_space<vmem>>)
      } else {
      }
      %not3A_413 = arith.constant true
      %not3A_414 = arith.xori %eq3A_397, %not3A_413 : i1
      %convert_element_type3A_415 = arith.extui %not3A_414 : i1 to i32
      %cond3A_416 = arith.constant 0 : i32
      %cond3A_417 = arith.cmpi ne, %convert_element_type3A_415, %cond3A_416 : i32
      scf.if %cond3A_417 {
        %dma_wait3A = arith.constant 0 : i32
        %dma_wait3A_426 = arith.constant 0 : i32
        %dma_wait3A_427 = arith.constant 0 : i32
        %dma_wait3A_428 = tpu.memref_slice %arg11[%dma_wait3A, %dma_wait3A_426, %dma_wait3A_427] : memref<1024x32x768xf32, #tpu.memory_space<hbm>> -> memref<1x32x768xf32, #tpu.memory_space<hbm>>
        %dma_wait3A_429 = tpu.memref_squeeze %dma_wait3A_428 : memref<1x32x768xf32, #tpu.memory_space<hbm>> -> memref<32x768xf32, #tpu.memory_space<hbm>>
        tpu.wait_dma2 semaphore(%arg20 : memref<!tpu.dma_semaphore, #tpu.memory_space<semaphore_mem>>) src(%dma_wait3A_429 : memref<32x768xf32, #tpu.memory_space<hbm>>) dst(%arg16 : memref<512x768xf32, #tpu.memory_space<vmem>>)
      } else {
      }
      %convert_element_type3A_418 = arith.extui %eq3A_397 : i1 to i32
      %cond3A_419 = arith.constant 0 : i32
      %cond3A_420 = arith.cmpi ne, %convert_element_type3A_418, %cond3A_419 : i32
      scf.if %cond3A_420 {
        %get3A_426 = arith.constant 0 : index
        %get3A_427 = arith.constant 0 : index
        %get3A_428 = vector.load %arg15[%get3A_426, %get3A_427] : memref<512x768xf32, #tpu.memory_space<vmem>>, vector<512x768xf32>
        %dot_general3A_429 = arith.constant dense<0.000000e+00> : vector<512x256xf32>
        %dot_general3A_430 = tpu.matmul %get3A_428, %get3A_1, %dot_general3A_429 {dimension_numbers = #tpu.dot_dimension_numbers<[1], [0], [0], [1], [0, 0, 1, 1], [], []>, transpose_lhs_hint = false} : vector<512x768xf32>, vector<768x256xf32>, vector<512x256xf32> -> vector<512x256xf32>
        %mul3A_431 = arith.mulf %get3A_428, %get3A_428 : vector<512x768xf32>
        %reduce_sum3A_432 = arith.constant dense<0.000000e+00> : vector<512xf32>
        %reduce_sum3A_433 = vector.multi_reduction <add>, %mul3A_431, %reduce_sum3A_432 [1] : vector<512x768xf32> to vector<512xf32>
        %broadcast_in_dim3A_434 = vector.shape_cast %reduce_sum3A_433 : vector<512xf32> to vector<512x1xf32>
        %add3A_435 = vector.broadcast %transpose3A : vector<1x256xf32> to vector<512x256xf32>
        %add3A_436 = vector.broadcast %broadcast_in_dim3A_434 : vector<512x1xf32> to vector<512x256xf32>
        %add3A_437 = arith.addf %add3A_435, %add3A_436 : vector<512x256xf32>
        %mul3A_438 = arith.constant 2.000000e+00 : f32
        %mul3A_439 = vector.broadcast %mul3A_438 : f32 to vector<512x256xf32>
        %mul3A_440 = arith.mulf %mul3A_439, %dot_general3A_430 : vector<512x256xf32>
        %sub3A_441 = arith.subf %add3A_437, %mul3A_440 : vector<512x256xf32>
        %neg3A = arith.constant 0.000000e+00 : f32
        %neg3A_442 = vector.broadcast %neg3A : f32 to vector<512x256xf32>
        %neg3A_443 = arith.subf %neg3A_442, %sub3A_441 : vector<512x256xf32>
        %div3A_444 = vector.broadcast %get3A_5 : f32 to vector<512x256xf32>
        %div3A_445 = arith.divf %neg3A_443, %div3A_444 : vector<512x256xf32>
        %reshape3A = vector.shape_cast %div3A_445 : vector<512x256xf32> to vector<16x32x256xf32>
        %reduce_max3A_446 = arith.constant dense<0xFF800000> : vector<16x256xf32>
        %reduce_max3A_447 = vector.multi_reduction <maximumf>, %reshape3A, %reduce_max3A_446 [1] : vector<16x32x256xf32> to vector<16x256xf32>
        %broadcast_in_dim3A_448 = vector.shape_cast %reduce_max3A_447 : vector<16x256xf32> to vector<16x1x256xf32>
        %eq3A_449 = vector.broadcast %broadcast_in_dim3A_448 : vector<16x1x256xf32> to vector<16x32x256xf32>
        %eq3A_450 = arith.cmpf oeq, %reshape3A, %eq3A_449 : vector<16x32x256xf32>
        %jit3A_451 = arith.constant 32 : i32
        %broadcast_in_dim3A_452 = vector.broadcast %jit3A_451 : i32 to vector<16x32x256xi32>
        %select_n3A_453 = arith.select %eq3A_450, %iota3A, %broadcast_in_dim3A_452 : vector<16x32x256xi1>, vector<16x32x256xi32>
        %reduce_min3A = arith.constant dense<2147483647> : vector<16x256xi32>
        %reduce_min3A_454 = vector.multi_reduction <minsi>, %select_n3A_453, %reduce_min3A [1] : vector<16x32x256xi32> to vector<16x256xi32>
        %mul3A_455 = arith.constant 16 : i32
        %mul3A_456 = arith.muli %while3A_394, %mul3A_455 : i32
        %swap3A_457 = arith.index_cast %mul3A_456 : i32 to index
        %swap3A_458 = arith.constant 0 : index
        %swap3A_459 = vector.load %arg17[%swap3A_457, %swap3A_458] : memref<1024x256xf32, #tpu.memory_space<vmem>>, vector<16x256xf32>
        tpu.vector_store %arg17[%swap3A_457, %swap3A_458], %reduce_max3A_447 {strides = array<i32>} : memref<1024x256xf32, #tpu.memory_space<vmem>>, vector<16x256xf32>,
        %mul3A_460 = arith.constant 16 : i32
        %mul3A_461 = arith.muli %while3A_394, %mul3A_460 : i32
        %swap3A_462 = arith.index_cast %mul3A_461 : i32 to index
        %swap3A_463 = arith.constant 0 : index
        %swap3A_464 = vector.load %arg18[%swap3A_462, %swap3A_463] : memref<1024x256xi32, #tpu.memory_space<vmem>>, vector<16x256xi32>
        tpu.vector_store %arg18[%swap3A_462, %swap3A_463], %reduce_min3A_454 {strides = array<i32>} : memref<1024x256xi32, #tpu.memory_space<vmem>>, vector<16x256xi32>,
      } else {
      }
      %not3A_421 = arith.constant true
      %not3A_422 = arith.xori %eq3A_397, %not3A_421 : i1
      %convert_element_type3A_423 = arith.extui %not3A_422 : i1 to i32
      %cond3A_424 = arith.constant 0 : i32
      %cond3A_425 = arith.cmpi ne, %convert_element_type3A_423, %cond3A_424 : i32
      scf.if %cond3A_425 {
        %get3A_426 = arith.constant 0 : index
        %get3A_427 = arith.constant 0 : index
        %get3A_428 = vector.load %arg16[%get3A_426, %get3A_427] : memref<512x768xf32, #tpu.memory_space<vmem>>, vector<512x768xf32>
        %dot_general3A_429 = arith.constant dense<0.000000e+00> : vector<512x256xf32>
        %dot_general3A_430 = tpu.matmul %get3A_428, %get3A_1, %dot_general3A_429 {dimension_numbers = #tpu.dot_dimension_numbers<[1], [0], [0], [1], [0, 0, 1, 1], [], []>, transpose_lhs_hint = false} : vector<512x768xf32>, vector<768x256xf32>, vector<512x256xf32> -> vector<512x256xf32>
        %mul3A_431 = arith.mulf %get3A_428, %get3A_428 : vector<512x768xf32>
        %reduce_sum3A_432 = arith.constant dense<0.000000e+00> : vector<512xf32>
        %reduce_sum3A_433 = vector.multi_reduction <add>, %mul3A_431, %reduce_sum3A_432 [1] : vector<512x768xf32> to vector<512xf32>
        %broadcast_in_dim3A_434 = vector.shape_cast %reduce_sum3A_433 : vector<512xf32> to vector<512x1xf32>
        %add3A_435 = vector.broadcast %transpose3A : vector<1x256xf32> to vector<512x256xf32>
        %add3A_436 = vector.broadcast %broadcast_in_dim3A_434 : vector<512x1xf32> to vector<512x256xf32>
        %add3A_437 = arith.addf %add3A_435, %add3A_436 : vector<512x256xf32>
        %mul3A_438 = arith.constant 2.000000e+00 : f32
        %mul3A_439 = vector.broadcast %mul3A_438 : f32 to vector<512x256xf32>
        %mul3A_440 = arith.mulf %mul3A_439, %dot_general3A_430 : vector<512x256xf32>
        %sub3A_441 = arith.subf %add3A_437, %mul3A_440 : vector<512x256xf32>
        %neg3A = arith.constant 0.000000e+00 : f32
        %neg3A_442 = vector.broadcast %neg3A : f32 to vector<512x256xf32>
        %neg3A_443 = arith.subf %neg3A_442, %sub3A_441 : vector<512x256xf32>
        %div3A_444 = vector.broadcast %get3A_5 : f32 to vector<512x256xf32>
        %div3A_445 = arith.divf %neg3A_443, %div3A_444 : vector<512x256xf32>
        %reshape3A = vector.shape_cast %div3A_445 : vector<512x256xf32> to vector<16x32x256xf32>
        %reduce_max3A_446 = arith.constant dense<0xFF800000> : vector<16x256xf32>
        %reduce_max3A_447 = vector.multi_reduction <maximumf>, %reshape3A, %reduce_max3A_446 [1] : vector<16x32x256xf32> to vector<16x256xf32>
        %broadcast_in_dim3A_448 = vector.shape_cast %reduce_max3A_447 : vector<16x256xf32> to vector<16x1x256xf32>
        %eq3A_449 = vector.broadcast %broadcast_in_dim3A_448 : vector<16x1x256xf32> to vector<16x32x256xf32>
        %eq3A_450 = arith.cmpf oeq, %reshape3A, %eq3A_449 : vector<16x32x256xf32>
        %jit3A_451 = arith.constant 32 : i32
        %broadcast_in_dim3A_452 = vector.broadcast %jit3A_451 : i32 to vector<16x32x256xi32>
        %select_n3A_453 = arith.select %eq3A_450, %iota3A, %broadcast_in_dim3A_452 : vector<16x32x256xi1>, vector<16x32x256xi32>
        %reduce_min3A = arith.constant dense<2147483647> : vector<16x256xi32>
        %reduce_min3A_454 = vector.multi_reduction <minsi>, %select_n3A_453, %reduce_min3A [1] : vector<16x32x256xi32> to vector<16x256xi32>
        %mul3A_455 = arith.constant 16 : i32
        %mul3A_456 = arith.muli %while3A_394, %mul3A_455 : i32
        %swap3A_457 = arith.index_cast %mul3A_456 : i32 to index
        %swap3A_458 = arith.constant 0 : index
        %swap3A_459 = vector.load %arg17[%swap3A_457, %swap3A_458] : memref<1024x256xf32, #tpu.memory_space<vmem>>, vector<16x256xf32>
        tpu.vector_store %arg17[%swap3A_457, %swap3A_458], %reduce_max3A_447 {strides = array<i32>} : memref<1024x256xf32, #tpu.memory_space<vmem>>, vector<16x256xf32>,
        %mul3A_460 = arith.constant 16 : i32
        %mul3A_461 = arith.muli %while3A_394, %mul3A_460 : i32
        %swap3A_462 = arith.index_cast %mul3A_461 : i32 to index
        %swap3A_463 = arith.constant 0 : index
        %swap3A_464 = vector.load %arg18[%swap3A_462, %swap3A_463] : memref<1024x256xi32, #tpu.memory_space<vmem>>, vector<16x256xi32>
        tpu.vector_store %arg18[%swap3A_462, %swap3A_463], %reduce_min3A_454 {strides = array<i32>} : memref<1024x256xi32, #tpu.memory_space<vmem>>, vector<16x256xi32>,
      } else {
      }
    }
    %get3A_164 = arith.constant 0 : index
    %get3A_165 = arith.constant 0 : index
    %get3A_166 = vector.load %arg9[%get3A_164, %get3A_165] : memref<1x1xf32, #tpu.memory_space<vmem>>, vector<1x1xf32>
    %get3A_167 = vector.extract %get3A_166[0, 0] : f32 from vector<1x1xf32>
    %get3A_168 = arith.constant 0 : index
    %get3A_169 = arith.constant 0 : index
    %get3A_170 = vector.load %arg17[%get3A_168, %get3A_169] : memref<1024x256xf32, #tpu.memory_space<vmem>>, vector<1024x256xf32>
    %get3A_171 = arith.constant 0 : index
    %get3A_172 = arith.constant 0 : index
    %get3A_173 = vector.load %arg18[%get3A_171, %get3A_172] : memref<1024x256xi32, #tpu.memory_space<vmem>>, vector<1024x256xi32>
    %get3A_174 = arith.constant 0 : index
    %get3A_175 = arith.constant 0 : index
    %get3A_176 = vector.load %arg5[%get3A_174, %get3A_175] : memref<1024x1xi32, #tpu.memory_space<vmem>>, vector<1024x1xi32>
    %get3A_177 = arith.constant 0 : index
    %get3A_178 = arith.constant 0 : index
    %get3A_179 = vector.load %arg6[%get3A_177, %get3A_178] : memref<8x256xi32, #tpu.memory_space<vmem>>, vector<1x256xi32>
    %eq3A = vector.broadcast %get3A_176 : vector<1024x1xi32> to vector<1024x256xi32>
    %eq3A_180 = vector.broadcast %get3A_179 : vector<1x256xi32> to vector<1024x256xi32>
    %eq3A_181 = arith.cmpi eq, %eq3A, %eq3A_180 : vector<1024x256xi32>
    %jit3A = arith.constant 0xFF800000 : f32
    %broadcast_in_dim3A_182 = vector.broadcast %jit3A : f32 to vector<1024x256xf32>
    %select_n3A = arith.select %eq3A_181, %get3A_170, %broadcast_in_dim3A_182 : vector<1024x256xi1>, vector<1024x256xf32>
    %reduce_max3A = arith.constant dense<0xFF800000> : vector<256xf32>
    %reduce_max3A_183 = vector.multi_reduction <maximumf>, %select_n3A, %reduce_max3A [0] : vector<1024x256xf32> to vector<256xf32>
    %broadcast_in_dim3A_184 = vector.shape_cast %reduce_max3A_183 : vector<256xf32> to vector<1x256xf32>
    %jit3A_185 = arith.constant 0 : i32
    %broadcast_in_dim3A_186 = vector.broadcast %jit3A_185 : i32 to vector<1024x256xi32>
    %select_n3A_187 = arith.select %eq3A_181, %get3A_173, %broadcast_in_dim3A_186 : vector<1024x256xi1>, vector<1024x256xi32>
    %reduce_max3A_188 = arith.constant dense<-2147483648> : vector<256xi32>
    %reduce_max3A_189 = vector.multi_reduction <maxsi>, %select_n3A_187, %reduce_max3A_188 [0] : vector<1024x256xi32> to vector<256xi32>
    %broadcast_in_dim3A_190 = vector.shape_cast %reduce_max3A_189 : vector<256xi32> to vector<1x256xi32>
    %get3A_191 = arith.constant 1 : index
    %get3A_192 = arith.constant 0 : index
    %get3A_193 = vector.load %arg6[%get3A_191, %get3A_192] : memref<8x256xi32, #tpu.memory_space<vmem>>, vector<1x256xi32>
    %eq3A_194 = vector.broadcast %get3A_176 : vector<1024x1xi32> to vector<1024x256xi32>
    %eq3A_195 = vector.broadcast %get3A_193 : vector<1x256xi32> to vector<1024x256xi32>
    %eq3A_196 = arith.cmpi eq, %eq3A_194, %eq3A_195 : vector<1024x256xi32>
    %jit3A_197 = arith.constant 0xFF800000 : f32
    %broadcast_in_dim3A_198 = vector.broadcast %jit3A_197 : f32 to vector<1024x256xf32>
    %select_n3A_199 = arith.select %eq3A_196, %get3A_170, %broadcast_in_dim3A_198 : vector<1024x256xi1>, vector<1024x256xf32>
    %reduce_max3A_200 = arith.constant dense<0xFF800000> : vector<256xf32>
    %reduce_max3A_201 = vector.multi_reduction <maximumf>, %select_n3A_199, %reduce_max3A_200 [0] : vector<1024x256xf32> to vector<256xf32>
    %broadcast_in_dim3A_202 = vector.shape_cast %reduce_max3A_201 : vector<256xf32> to vector<1x256xf32>
    %jit3A_203 = arith.constant 0 : i32
    %broadcast_in_dim3A_204 = vector.broadcast %jit3A_203 : i32 to vector<1024x256xi32>
    %select_n3A_205 = arith.select %eq3A_196, %get3A_173, %broadcast_in_dim3A_204 : vector<1024x256xi1>, vector<1024x256xi32>
    %reduce_max3A_206 = arith.constant dense<-2147483648> : vector<256xi32>
    %reduce_max3A_207 = vector.multi_reduction <maxsi>, %select_n3A_205, %reduce_max3A_206 [0] : vector<1024x256xi32> to vector<256xi32>
    %broadcast_in_dim3A_208 = vector.shape_cast %reduce_max3A_207 : vector<256xi32> to vector<1x256xi32>
    %get3A_209 = arith.constant 2 : index
    %get3A_210 = arith.constant 0 : index
    %get3A_211 = vector.load %arg6[%get3A_209, %get3A_210] : memref<8x256xi32, #tpu.memory_space<vmem>>, vector<1x256xi32>
    %eq3A_212 = vector.broadcast %get3A_176 : vector<1024x1xi32> to vector<1024x256xi32>
    %eq3A_213 = vector.broadcast %get3A_211 : vector<1x256xi32> to vector<1024x256xi32>
    %eq3A_214 = arith.cmpi eq, %eq3A_212, %eq3A_213 : vector<1024x256xi32>
    %jit3A_215 = arith.constant 0xFF800000 : f32
    %broadcast_in_dim3A_216 = vector.broadcast %jit3A_215 : f32 to vector<1024x256xf32>
    %select_n3A_217 = arith.select %eq3A_214, %get3A_170, %broadcast_in_dim3A_216 : vector<1024x256xi1>, vector<1024x256xf32>
    %reduce_max3A_218 = arith.constant dense<0xFF800000> : vector<256xf32>
    %reduce_max3A_219 = vector.multi_reduction <maximumf>, %select_n3A_217, %reduce_max3A_218 [0] : vector<1024x256xf32> to vector<256xf32>
    %broadcast_in_dim3A_220 = vector.shape_cast %reduce_max3A_219 : vector<256xf32> to vector<1x256xf32>
    %jit3A_221 = arith.constant 0 : i32
    %broadcast_in_dim3A_222 = vector.broadcast %jit3A_221 : i32 to vector<1024x256xi32>
    %select_n3A_223 = arith.select %eq3A_214, %get3A_173, %broadcast_in_dim3A_222 : vector<1024x256xi1>, vector<1024x256xi32>
    %reduce_max3A_224 = arith.constant dense<-2147483648> : vector<256xi32>
    %reduce_max3A_225 = vector.multi_reduction <maxsi>, %select_n3A_223, %reduce_max3A_224 [0] : vector<1024x256xi32> to vector<256xi32>
    %broadcast_in_dim3A_226 = vector.shape_cast %reduce_max3A_225 : vector<256xi32> to vector<1x256xi32>
    %get3A_227 = arith.constant 3 : index
    %get3A_228 = arith.constant 0 : index
    %get3A_229 = vector.load %arg6[%get3A_227, %get3A_228] : memref<8x256xi32, #tpu.memory_space<vmem>>, vector<1x256xi32>
    %eq3A_230 = vector.broadcast %get3A_176 : vector<1024x1xi32> to vector<1024x256xi32>
    %eq3A_231 = vector.broadcast %get3A_229 : vector<1x256xi32> to vector<1024x256xi32>
    %eq3A_232 = arith.cmpi eq, %eq3A_230, %eq3A_231 : vector<1024x256xi32>
    %jit3A_233 = arith.constant 0xFF800000 : f32
    %broadcast_in_dim3A_234 = vector.broadcast %jit3A_233 : f32 to vector<1024x256xf32>
    %select_n3A_235 = arith.select %eq3A_232, %get3A_170, %broadcast_in_dim3A_234 : vector<1024x256xi1>, vector<1024x256xf32>
    %reduce_max3A_236 = arith.constant dense<0xFF800000> : vector<256xf32>
    %reduce_max3A_237 = vector.multi_reduction <maximumf>, %select_n3A_235, %reduce_max3A_236 [0] : vector<1024x256xf32> to vector<256xf32>
    %broadcast_in_dim3A_238 = vector.shape_cast %reduce_max3A_237 : vector<256xf32> to vector<1x256xf32>
    %jit3A_239 = arith.constant 0 : i32
    %broadcast_in_dim3A_240 = vector.broadcast %jit3A_239 : i32 to vector<1024x256xi32>
    %select_n3A_241 = arith.select %eq3A_232, %get3A_173, %broadcast_in_dim3A_240 : vector<1024x256xi1>, vector<1024x256xi32>
    %reduce_max3A_242 = arith.constant dense<-2147483648> : vector<256xi32>
    %reduce_max3A_243 = vector.multi_reduction <maxsi>, %select_n3A_241, %reduce_max3A_242 [0] : vector<1024x256xi32> to vector<256xi32>
    %broadcast_in_dim3A_244 = vector.shape_cast %reduce_max3A_243 : vector<256xi32> to vector<1x256xi32>
    %get3A_245 = arith.constant 4 : index
    %get3A_246 = arith.constant 0 : index
    %get3A_247 = vector.load %arg6[%get3A_245, %get3A_246] : memref<8x256xi32, #tpu.memory_space<vmem>>, vector<1x256xi32>
    %eq3A_248 = vector.broadcast %get3A_176 : vector<1024x1xi32> to vector<1024x256xi32>
    %eq3A_249 = vector.broadcast %get3A_247 : vector<1x256xi32> to vector<1024x256xi32>
    %eq3A_250 = arith.cmpi eq, %eq3A_248, %eq3A_249 : vector<1024x256xi32>
    %jit3A_251 = arith.constant 0xFF800000 : f32
    %broadcast_in_dim3A_252 = vector.broadcast %jit3A_251 : f32 to vector<1024x256xf32>
    %select_n3A_253 = arith.select %eq3A_250, %get3A_170, %broadcast_in_dim3A_252 : vector<1024x256xi1>, vector<1024x256xf32>
    %reduce_max3A_254 = arith.constant dense<0xFF800000> : vector<256xf32>
    %reduce_max3A_255 = vector.multi_reduction <maximumf>, %select_n3A_253, %reduce_max3A_254 [0] : vector<1024x256xf32> to vector<256xf32>
    %broadcast_in_dim3A_256 = vector.shape_cast %reduce_max3A_255 : vector<256xf32> to vector<1x256xf32>
    %jit3A_257 = arith.constant 0 : i32
    %broadcast_in_dim3A_258 = vector.broadcast %jit3A_257 : i32 to vector<1024x256xi32>
    %select_n3A_259 = arith.select %eq3A_250, %get3A_173, %broadcast_in_dim3A_258 : vector<1024x256xi1>, vector<1024x256xi32>
    %reduce_max3A_260 = arith.constant dense<-2147483648> : vector<256xi32>
    %reduce_max3A_261 = vector.multi_reduction <maxsi>, %select_n3A_259, %reduce_max3A_260 [0] : vector<1024x256xi32> to vector<256xi32>
    %broadcast_in_dim3A_262 = vector.shape_cast %reduce_max3A_261 : vector<256xi32> to vector<1x256xi32>
    %div3A = vector.broadcast %get3A_167 : f32 to vector<1x256xf32>
    %div3A_263 = arith.divf %broadcast_in_dim3A_184, %div3A : vector<1x256xf32>
    %div3A_264 = vector.broadcast %get3A_167 : f32 to vector<1x256xf32>
    %div3A_265 = arith.divf %broadcast_in_dim3A_202, %div3A_264 : vector<1x256xf32>
    %div3A_266 = vector.broadcast %get3A_167 : f32 to vector<1x256xf32>
    %div3A_267 = arith.divf %broadcast_in_dim3A_220, %div3A_266 : vector<1x256xf32>
    %div3A_268 = vector.broadcast %get3A_167 : f32 to vector<1x256xf32>
    %div3A_269 = arith.divf %broadcast_in_dim3A_238, %div3A_268 : vector<1x256xf32>
    %div3A_270 = vector.broadcast %get3A_167 : f32 to vector<1x256xf32>
    %div3A_271 = arith.divf %broadcast_in_dim3A_256, %div3A_270 : vector<1x256xf32>
    %max3A = arith.maximumf %div3A_263, %div3A_265 : vector<1x256xf32>
    %max3A_272 = arith.maximumf %max3A, %div3A_267 : vector<1x256xf32>
    %max3A_273 = arith.maximumf %max3A_272, %div3A_269 : vector<1x256xf32>
    %max3A_274 = arith.maximumf %max3A_273, %div3A_271 : vector<1x256xf32>
    %sub3A = arith.subf %div3A_263, %max3A_274 : vector<1x256xf32>
    %exp3A = math.exp %sub3A : vector<1x256xf32>
    %sub3A_275 = arith.subf %div3A_265, %max3A_274 : vector<1x256xf32>
    %exp3A_276 = math.exp %sub3A_275 : vector<1x256xf32>
    %sub3A_277 = arith.subf %div3A_267, %max3A_274 : vector<1x256xf32>
    %exp3A_278 = math.exp %sub3A_277 : vector<1x256xf32>
    %sub3A_279 = arith.subf %div3A_269, %max3A_274 : vector<1x256xf32>
    %exp3A_280 = math.exp %sub3A_279 : vector<1x256xf32>
    %sub3A_281 = arith.subf %div3A_271, %max3A_274 : vector<1x256xf32>
    %exp3A_282 = math.exp %sub3A_281 : vector<1x256xf32>
    %add3A = arith.addf %exp3A, %exp3A_276 : vector<1x256xf32>
    %add3A_283 = arith.addf %add3A, %exp3A_278 : vector<1x256xf32>
    %add3A_284 = arith.addf %add3A_283, %exp3A_280 : vector<1x256xf32>
    %add3A_285 = arith.addf %add3A_284, %exp3A_282 : vector<1x256xf32>
    %div3A_286 = arith.divf %exp3A, %add3A_285 : vector<1x256xf32>
    %div3A_287 = arith.divf %exp3A_276, %add3A_285 : vector<1x256xf32>
    %div3A_288 = arith.divf %exp3A_278, %add3A_285 : vector<1x256xf32>
    %div3A_289 = arith.divf %exp3A_280, %add3A_285 : vector<1x256xf32>
    %div3A_290 = arith.divf %exp3A_282, %add3A_285 : vector<1x256xf32>
    %get3A_291 = arith.constant 0 : index
    %get3A_292 = arith.constant 0 : index
    %get3A_293 = vector.load %arg7[%get3A_291, %get3A_292] : memref<8x256xf32, #tpu.memory_space<vmem>>, vector<1x256xf32>
    %mul3A_294 = arith.mulf %div3A_286, %get3A_293 : vector<1x256xf32>
    %get3A_295 = arith.constant 1 : index
    %get3A_296 = arith.constant 0 : index
    %get3A_297 = vector.load %arg7[%get3A_295, %get3A_296] : memref<8x256xf32, #tpu.memory_space<vmem>>, vector<1x256xf32>
    %mul3A_298 = arith.mulf %div3A_287, %get3A_297 : vector<1x256xf32>
    %get3A_299 = arith.constant 2 : index
    %get3A_300 = arith.constant 0 : index
    %get3A_301 = vector.load %arg7[%get3A_299, %get3A_300] : memref<8x256xf32, #tpu.memory_space<vmem>>, vector<1x256xf32>
    %mul3A_302 = arith.mulf %div3A_288, %get3A_301 : vector<1x256xf32>
    %get3A_303 = arith.constant 3 : index
    %get3A_304 = arith.constant 0 : index
    %get3A_305 = vector.load %arg7[%get3A_303, %get3A_304] : memref<8x256xf32, #tpu.memory_space<vmem>>, vector<1x256xf32>
    %mul3A_306 = arith.mulf %div3A_289, %get3A_305 : vector<1x256xf32>
    %get3A_307 = arith.constant 4 : index
    %get3A_308 = arith.constant 0 : index
    %get3A_309 = vector.load %arg7[%get3A_307, %get3A_308] : memref<8x256xf32, #tpu.memory_space<vmem>>, vector<1x256xf32>
    %mul3A_310 = arith.mulf %div3A_290, %get3A_309 : vector<1x256xf32>
    %add3A_311 = arith.addf %mul3A_294, %mul3A_298 : vector<1x256xf32>
    %add3A_312 = arith.addf %add3A_311, %mul3A_302 : vector<1x256xf32>
    %add3A_313 = arith.addf %add3A_312, %mul3A_306 : vector<1x256xf32>
    %add3A_314 = arith.addf %add3A_313, %mul3A_310 : vector<1x256xf32>
    %add3A_315 = arith.constant 9.99999971E-10 : f32
    %add3A_316 = vector.broadcast %add3A_315 : f32 to vector<1x256xf32>
    %add3A_317 = arith.addf %add3A_314, %add3A_316 : vector<1x256xf32>
    %div3A_318 = arith.divf %mul3A_294, %add3A_317 : vector<1x256xf32>
    %div3A_319 = arith.divf %mul3A_298, %add3A_317 : vector<1x256xf32>
    %div3A_320 = arith.divf %mul3A_302, %add3A_317 : vector<1x256xf32>
    %div3A_321 = arith.divf %mul3A_306, %add3A_317 : vector<1x256xf32>
    %div3A_322 = arith.divf %mul3A_310, %add3A_317 : vector<1x256xf32>
    %swap3A = arith.constant 0 : index
    %swap3A_323 = arith.constant 0 : index
    %swap3A_324 = vector.load %arg13[%swap3A, %swap3A_323] : memref<8x256xf32, #tpu.memory_space<vmem>>, vector<1x256xf32>
    tpu.vector_store %arg13[%swap3A, %swap3A_323], %div3A_318 {strides = array<i32>} : memref<8x256xf32, #tpu.memory_space<vmem>>, vector<1x256xf32>,
    %swap3A_325 = arith.constant 1 : index
    %swap3A_326 = arith.constant 0 : index
    %swap3A_327 = vector.load %arg13[%swap3A_325, %swap3A_326] : memref<8x256xf32, #tpu.memory_space<vmem>>, vector<1x256xf32>
    tpu.vector_store %arg13[%swap3A_325, %swap3A_326], %div3A_319 {strides = array<i32>} : memref<8x256xf32, #tpu.memory_space<vmem>>, vector<1x256xf32>,
    %swap3A_328 = arith.constant 2 : index
    %swap3A_329 = arith.constant 0 : index
    %swap3A_330 = vector.load %arg13[%swap3A_328, %swap3A_329] : memref<8x256xf32, #tpu.memory_space<vmem>>, vector<1x256xf32>
    tpu.vector_store %arg13[%swap3A_328, %swap3A_329], %div3A_320 {strides = array<i32>} : memref<8x256xf32, #tpu.memory_space<vmem>>, vector<1x256xf32>,
    %swap3A_331 = arith.constant 3 : index
    %swap3A_332 = arith.constant 0 : index
    %swap3A_333 = vector.load %arg13[%swap3A_331, %swap3A_332] : memref<8x256xf32, #tpu.memory_space<vmem>>, vector<1x256xf32>
    tpu.vector_store %arg13[%swap3A_331, %swap3A_332], %div3A_321 {strides = array<i32>} : memref<8x256xf32, #tpu.memory_space<vmem>>, vector<1x256xf32>,
    %swap3A_334 = arith.constant 4 : index
    %swap3A_335 = arith.constant 0 : index
    %swap3A_336 = vector.load %arg13[%swap3A_334, %swap3A_335] : memref<8x256xf32, #tpu.memory_space<vmem>>, vector<1x256xf32>
    tpu.vector_store %arg13[%swap3A_334, %swap3A_335], %div3A_322 {strides = array<i32>} : memref<8x256xf32, #tpu.memory_space<vmem>>, vector<1x256xf32>,
    %gt3A = arith.cmpf ogt, %div3A_319, %div3A_318 : vector<1x256xf32>
    %select_n3A_337 = arith.select %gt3A, %div3A_319, %div3A_318 : vector<1x256xi1>, vector<1x256xf32>
    %select_n3A_338 = arith.select %gt3A, %get3A_193, %get3A_179 : vector<1x256xi1>, vector<1x256xi32>
    %select_n3A_339 = arith.select %gt3A, %broadcast_in_dim3A_208, %broadcast_in_dim3A_190 : vector<1x256xi1>, vector<1x256xi32>
    %gt3A_340 = arith.cmpf ogt, %div3A_320, %select_n3A_337 : vector<1x256xf32>
    %select_n3A_341 = arith.select %gt3A_340, %div3A_320, %select_n3A_337 : vector<1x256xi1>, vector<1x256xf32>
    %select_n3A_342 = arith.select %gt3A_340, %get3A_211, %select_n3A_338 : vector<1x256xi1>, vector<1x256xi32>
    %select_n3A_343 = arith.select %gt3A_340, %broadcast_in_dim3A_226, %select_n3A_339 : vector<1x256xi1>, vector<1x256xi32>
    %gt3A_344 = arith.cmpf ogt, %div3A_321, %select_n3A_341 : vector<1x256xf32>
    %select_n3A_345 = arith.select %gt3A_344, %div3A_321, %select_n3A_341 : vector<1x256xi1>, vector<1x256xf32>
    %select_n3A_346 = arith.select %gt3A_344, %get3A_229, %select_n3A_342 : vector<1x256xi1>, vector<1x256xi32>
    %select_n3A_347 = arith.select %gt3A_344, %broadcast_in_dim3A_244, %select_n3A_343 : vector<1x256xi1>, vector<1x256xi32>
    %gt3A_348 = arith.cmpf ogt, %div3A_322, %select_n3A_345 : vector<1x256xf32>
    %select_n3A_349 = arith.select %gt3A_348, %get3A_247, %select_n3A_346 : vector<1x256xi1>, vector<1x256xi32>
    %select_n3A_350 = arith.select %gt3A_348, %broadcast_in_dim3A_262, %select_n3A_347 : vector<1x256xi1>, vector<1x256xi32>
    %swap3A_351 = arith.constant 0 : index
    %swap3A_352 = arith.constant 0 : index
    %swap3A_353 = vector.load %arg14[%swap3A_351, %swap3A_352] : memref<1x256xi32, #tpu.memory_space<vmem>>, vector<1x256xi32>
    tpu.vector_store %arg14[%swap3A_351, %swap3A_352], %select_n3A_349 {strides = array<i32>} : memref<1x256xi32, #tpu.memory_space<vmem>>, vector<1x256xi32>,
    %iota3A_354 = tpu.iota {dimensions = array<i32: 0>} : vector<1024x256xi32>
    %eq3A_355 = vector.broadcast %select_n3A_349 : vector<1x256xi32> to vector<1024x256xi32>
    %eq3A_356 = arith.cmpi eq, %iota3A_354, %eq3A_355 : vector<1024x256xi32>
    %convert_element_type3A = arith.extui %eq3A_356 : vector<1024x256xi1> to vector<1024x256xi32>
    %convert_element_type3A_357 = arith.sitofp %convert_element_type3A : vector<1024x256xi32> to vector<1024x256xf32>
    %get3A_358 = arith.constant 0 : index
    %get3A_359 = arith.constant 0 : index
    %get3A_360 = vector.load %arg8[%get3A_358, %get3A_359] : memref<64x1024xf32, #tpu.memory_space<vmem>>, vector<64x1024xf32>
    %dot_general3A = arith.constant dense<0.000000e+00> : vector<64x256xf32>
    %dot_general3A_361 = tpu.matmul %get3A_360, %convert_element_type3A_357, %dot_general3A {dimension_numbers = #tpu.dot_dimension_numbers<[1], [0], [0], [1], [0, 0, 1, 1], [], []>, precision = #tpu.contract_precision<fp32>, transpose_lhs_hint = false} : vector<64x1024xf32>, vector<1024x256xf32>, vector<64x256xf32> -> vector<64x256xf32>
    %iota3A_362 = tpu.iota {dimensions = array<i32: 0>} : vector<64x256xi32>
    %mul3A_363 = arith.constant 2 : i32
    %mul3A_364 = vector.broadcast %mul3A_363 : i32 to vector<1x256xi32>
    %mul3A_365 = arith.muli %mul3A_364, %select_n3A_350 : vector<1x256xi32>
    %eq3A_366 = vector.broadcast %mul3A_365 : vector<1x256xi32> to vector<64x256xi32>
    %eq3A_367 = arith.cmpi eq, %iota3A_362, %eq3A_366 : vector<64x256xi32>
    %jit3A_368 = arith.constant 0.000000e+00 : f32
    %broadcast_in_dim3A_369 = vector.broadcast %jit3A_368 : f32 to vector<64x256xf32>
    %select_n3A_370 = arith.select %eq3A_367, %dot_general3A_361, %broadcast_in_dim3A_369 : vector<64x256xi1>, vector<64x256xf32>
    %reduce_sum3A_371 = arith.constant dense<0.000000e+00> : vector<256xf32>
    %reduce_sum3A_372 = vector.multi_reduction <add>, %select_n3A_370, %reduce_sum3A_371 [0] : vector<64x256xf32> to vector<256xf32>
    %broadcast_in_dim3A_373 = vector.shape_cast %reduce_sum3A_372 : vector<256xf32> to vector<1x256xf32>
    %mul3A_374 = arith.constant 2 : i32
    %mul3A_375 = vector.broadcast %mul3A_374 : i32 to vector<1x256xi32>
    %mul3A_376 = arith.muli %mul3A_375, %select_n3A_350 : vector<1x256xi32>
    %add3A_377 = arith.constant 1 : i32
    %add3A_378 = vector.broadcast %add3A_377 : i32 to vector<1x256xi32>
    %add3A_379 = arith.addi %mul3A_376, %add3A_378 : vector<1x256xi32>
    %eq3A_380 = vector.broadcast %add3A_379 : vector<1x256xi32> to vector<64x256xi32>
    %eq3A_381 = arith.cmpi eq, %iota3A_362, %eq3A_380 : vector<64x256xi32>
    %jit3A_382 = arith.constant 0.000000e+00 : f32
    %broadcast_in_dim3A_383 = vector.broadcast %jit3A_382 : f32 to vector<64x256xf32>
    %select_n3A_384 = arith.select %eq3A_381, %dot_general3A_361, %broadcast_in_dim3A_383 : vector<64x256xi1>, vector<64x256xf32>
    %reduce_sum3A_385 = arith.constant dense<0.000000e+00> : vector<256xf32>
    %reduce_sum3A_386 = vector.multi_reduction <add>, %select_n3A_384, %reduce_sum3A_385 [0] : vector<64x256xf32> to vector<256xf32>
    %broadcast_in_dim3A_387 = vector.shape_cast %reduce_sum3A_386 : vector<256xf32> to vector<1x256xf32>
    %swap3A_388 = arith.constant 0 : index
    %swap3A_389 = arith.constant 0 : index
    %swap3A_390 = vector.load %arg12[%swap3A_388, %swap3A_389] : memref<2x256xf32, #tpu.memory_space<vmem>>, vector<1x256xf32>
    tpu.vector_store %arg12[%swap3A_388, %swap3A_389], %broadcast_in_dim3A_373 {strides = array<i32>} : memref<2x256xf32, #tpu.memory_space<vmem>>, vector<1x256xf32>,
    %swap3A_391 = arith.constant 1 : index
    %swap3A_392 = arith.constant 0 : index
    %swap3A_393 = vector.load %arg12[%swap3A_391, %swap3A_392] : memref<2x256xf32, #tpu.memory_space<vmem>>, vector<1x256xf32>
    tpu.vector_store %arg12[%swap3A_391, %swap3A_392], %broadcast_in_dim3A_387 {strides = array<i32>} : memref<2x256xf32, #tpu.memory_space<vmem>>, vector<1x256xf32>,
    return
  }
  func.func @transform_0(%arg0: i32, %arg1: memref<1024xi32, #tpu.memory_space<smem>>, %arg2: memref<1xi32, #tpu.memory_space<smem>>) -> (i32, i32) {
    %c0_i32 = arith.constant 0 : i32
    %c0_i32_0 = arith.constant 0 : i32
    %c0_i32_1 = arith.constant 0 : i32
    return %c0_i32, %c0_i32_0 : i32, i32
  }
  func.func @transform_1(%arg0: i32, %arg1: memref<1024xi32, #tpu.memory_space<smem>>, %arg2: memref<1xi32, #tpu.memory_space<smem>>) -> (i32, i32) {
    %c0_i32 = arith.constant 0 : i32
    %c0_i32_0 = arith.constant 0 : i32
    %c0_i32_1 = arith.constant 0 : i32
    return %c0_i32, %c0_i32_0 : i32, i32
  }
  func.func @transform_2(%arg0: i32, %arg1: memref<1024xi32, #tpu.memory_space<smem>>, %arg2: memref<1xi32, #tpu.memory_space<smem>>) -> (i32, i32) {
    %c0_i32 = arith.constant 0 : i32
    %c0_i32_0 = arith.constant 0 : i32
    %c0_i32_1 = arith.constant 0 : i32
    return %c0_i32, %c0_i32_0 : i32, i32
  }
  func.func @transform_3(%arg0: i32, %arg1: memref<1024xi32, #tpu.memory_space<smem>>, %arg2: memref<1xi32, #tpu.memory_space<smem>>) -> (i32, i32) {
    %c0_i32 = arith.constant 0 : i32
    %c0_i32_0 = arith.constant 0 : i32
    %c0_i32_1 = arith.constant 0 : i32
    return %c0_i32, %c0_i32_0 : i32, i32
  }
  func.func @transform_4(%arg0: i32, %arg1: memref<1024xi32, #tpu.memory_space<smem>>, %arg2: memref<1xi32, #tpu.memory_space<smem>>) -> (i32, i32) {
    %c0_i32 = arith.constant 0 : i32
    %c0_i32_0 = arith.constant 0 : i32
    %c0_i32_1 = arith.constant 0 : i32
    return %c0_i32, %c0_i32_0 : i32, i32
  }
  func.func @transform_5(%arg0: i32, %arg1: memref<1024xi32, #tpu.memory_space<smem>>, %arg2: memref<1xi32, #tpu.memory_space<smem>>) -> (i32, i32) {
    %c0_i32 = arith.constant 0 : i32
    %c0_i32_0 = arith.constant 0 : i32
    %c0_i32_1 = arith.constant 0 : i32
    return %c0_i32, %c0_i32_0 : i32, i32
  }
  func.func @transform_6(%arg0: i32, %arg1: memref<1024xi32, #tpu.memory_space<smem>>, %arg2: memref<1xi32, #tpu.memory_space<smem>>) -> (i32, i32) {
    %c0_i32 = arith.constant 0 : i32
    %c0_i32_0 = arith.constant 0 : i32
    %c0_i32_1 = arith.constant 0 : i32
    return %c0_i32, %c0_i32_0 : i32, i32
  }
  func.func @transform_7(%arg0: i32, %arg1: memref<1024xi32, #tpu.memory_space<smem>>, %arg2: memref<1xi32, #tpu.memory_space<smem>>) -> (i32, i32) {
    %c0_i32 = arith.constant 0 : i32
    %c0_i32_0 = arith.constant 0 : i32
    %c0_i32_1 = arith.constant 0 : i32
    return %c0_i32, %c0_i32_0 : i32, i32
  }
  func.func @transform_9(%arg0: i32, %arg1: memref<1024xi32, #tpu.memory_space<smem>>, %arg2: memref<1xi32, #tpu.memory_space<smem>>) -> (i32, i32) {
    %c0_i32 = arith.constant 0 : i32
    %c0_i32_0 = arith.constant 0 : i32
    %c0_i32_1 = arith.constant 0 : i32
    return %c0_i32, %c0_i32_0 : i32, i32
  }
  func.func @transform_10(%arg0: i32, %arg1: memref<1024xi32, #tpu.memory_space<smem>>, %arg2: memref<1xi32, #tpu.memory_space<smem>>) -> (i32, i32) {
    %c0_i32 = arith.constant 0 : i32
    %c0_i32_0 = arith.constant 0 : i32
    %c0_i32_1 = arith.constant 0 : i32
    return %c0_i32, %c0_i32_0 : i32, i32
  }
  func.func @transform_11(%arg0: i32, %arg1: memref<1024xi32, #tpu.memory_space<smem>>, %arg2: memref<1xi32, #tpu.memory_space<smem>>) -> (i32, i32) {
    %c0_i32 = arith.constant 0 : i32
    %c0_i32_0 = arith.constant 0 : i32
    %c0_i32_1 = arith.constant 0 : i32
    return %c0_i32, %c0_i32_0 : i32, i32
  }
}

</mosaic_0001>

<sc_bundles>
// kernel: scatter_offload_async_start
scs
__scs_entry_jumppad:
0x0: {  	(pc) =	sbr.rel $0x88, $3  }
0x1: {  	(tag) =	ssettag $0x0;
	lr =	simm.s32 $0x1  }
0x2: {  	[smem:$0x3F9A] =	sst lr;
	_ =	strace $0xD0000000  }
0x3: {  	_ = 	snop  }
0x4: {  	_ = 	snop  }
0x5: {  	_ = 	snop  }
0x6: {  	_ = 	snop  }
0x7: {  	_ = 	snop  }
__scs_overlays_trampoline_lowered:
0x8: {  	[smem:$0x3FA9] =	sst s0  }
0x9: {  	[smem:$0x3FAA] =	sst s1  }
0xa: {  	[smem:$0x3FAB] =	sst s2  }
0xb: {  	[smem:$0x3FAC] =	sst s3  }
0xc: {  	[smem:$0x3FAD] =	sst s4  }
0xd: {  	[smem:$0x3FAE] =	sst s5  }
0xe: {  	[smem:$0x3FAF] =	sst s6  }
0xf: {  	[smem:$0x3FB0] =	sst s7  }
0x10: {  	[smem:$0x3FB1] =	sst s8  }
0x11: {  	[smem:$0x3FB2] =	sst s9;
	s0 =	simm.s32 @!p0 $0x0  }
0x12: {  	s1 =	sld [smem:$0x3F98];
	s0 =	simm.s32 @p0 $0x1  }
0x13: {  	[smem:$0x3FB3] =	sst s0;
	s0 =	simm.s32 @!p1 $0x0  }
0x14: {  	s2 =	sld [smem:$0x3F97];
	s0 =	simm.s32 @p1 $0x1  }
0x15: {  	[smem:$0x3FB4] =	sst s0;
	s0 =	simm.s32 @!p2 $0x0  }
0x16: {  	s3 =	sld [smem:$0x3FDB];
	s0 =	simm.s32 @p2 $0x1  }
0x17: {  	s4 =	simm.s32 $0x1BF5;
	[smem:$0x3FB6] =	sst s0  }
0x18: {  	s0 =	sld [smem:$0x3F99];
	_ =	swait.ge [sflag:s4], $0x0  }
0x19: {  	s7 =	sld [smem:$0x3F9A]  }
0x1a: {  	s8 =	sadd.s32 $0xFFFFE003, lr  }
0x1b: {  	s9 =	sadd.s32 $0xFFFFFEF7, lr;
	s5 =	simm.s32 $0xFFFFFFFF;
	p2 =	slt.u32 s8, $0xFFFFF086  }
0x1c: {  	p1 =	slt.u32 s9, $0xF7A;
	s5 =	simm.s32 @!p2 $0x0  }
0x1d: {  	s5 =	simm.s32 @p1 $0x1;
	p0 =	seq.s32 s7, s2  }
0x1e: {  	s7 =	smul.u32 @!p0 $0xF7A, s2;
	p2 =	seq.s32 @!p0 s5, $0x0  }
0x1f: {  	s9 =	smul.u32 $0xF7A, s1;
	s8 =	simm.s32 @!p0 $0x1BF5;
	p2 =	por !p2, p0  }
0x20: {  	[sflag:s8] =	ssyncset.s32 @!p0 $0xFFFFF086;
	s6 =	sadd.s32 @!p0 s3, s7;
	s7 =	simm.s32 @!p0 $0x108  }
0x21: {  	s3 =	sadd.s32 s3, s9;
	s6 =	sadd.s32 @!p0 $0x88, s6;
	s7 =	simm.s32 @p2 $0x1082  }
0x22: {  	[simem:s7], [sflag:s8] =	dma.local @!p0 [hbm:s6], $0xF7A  }
0x23: {  	s9 =	sor.u32 $0xD0000000, s2;
	s6 =	simm.s32 $0x108;
	_ =	swait.ge @!p0 [sflag:s8], $0x0  }
0x24: {  	s3 =	sadd.s32 $0x88, s3;
	s6 =	simm.s32 @!p1 $0x1082;
	[sflag:s4] =	ssyncset.s32 $0xFFFFF086  }
0x25: {  	[simem:s6], [sflag:s4] =	dma.local [hbm:s3], $0xF7A  }
0x26: {  	[smem:$0x3F9A] =	sst s1;
	(tag) =	ssettag s2;
	_ =	strace s9  }
0x27: {  	s1 =	sld [smem:$0x3FAA]  }
0x28: {  	s2 =	sld [smem:$0x3FAB]  }
0x29: {  	s4 =	sld [smem:$0x3FAD]  }
0x2a: {  	p0 =	seq.s32 s5, $0x0;
	s5 =	sld [smem:$0x3FAE]  }
0x2b: {  	s6 =	sld [smem:$0x3FAF]  }
0x2c: {  	s7 =	sld [smem:$0x3FB0]  }
0x2d: {  	s3 =	simm.s32 $0x108;
	s8 =	sld [smem:$0x3FB1]  }
0x2e: {  	s3 =	simm.s32 @!p0 $0x1082;
	s9 =	sld [smem:$0x3FB2]  }
0x2f: {  	lr =	sadd.s32 s0, s3;
	s0 =	sld [smem:$0x3FA9]  }
0x30: {  	s3 =	sld [smem:$0x3FAC]  }
0x31: {  	[smem:$0x3FB5] =	sst s10  }
0x32: {  	s10 =	sld [smem:$0x3FB3];
	_ =	sdelay $0x3  }
0x33: {  	p0 =	seq.s32 s10, $0x1;
	s10 =	sld [smem:$0x3FB5];
	_ =	sdelay $0x3  }
0x34: {  	[smem:$0x3FB5] =	sst s10  }
0x35: {  	s10 =	sld [smem:$0x3FB4];
	_ =	sdelay $0x3  }
0x36: {  	p1 =	seq.s32 s10, $0x1;
	s10 =	sld [smem:$0x3FB5];
	_ =	sdelay $0x3  }
0x37: {  	[smem:$0x3FB5] =	sst s10  }
0x38: {  	s10 =	sld [smem:$0x3FB6]  }
0x39: {  	_ = 	snop;
	(pc) =	sbr.ind lr, $3  }
0x3a: {  	_ = 	snop  }
0x3b: {  	_ = 	snop  }
0x3c: {  	p2 =	seq.s32 s10, $0x1;
	s10 =	sld [smem:$0x3FB5]  }
0x3d: {  	_ =	shalt  }
0x3e: {  	_ =	shalt  }
0x3f: {  	_ =	shalt  }
0x40: {  	_ =	shalt  }
0x41: {  	_ =	shalt  }
0x42: {  	_ =	shalt  }
0x43: {  	_ =	shalt  }
0x44: {  	_ =	shalt  }
0x45: {  	_ =	shalt  }
0x46: {  	_ =	shalt  }
0x47: {  	_ =	shalt  }
0x48: {  	_ =	shalt  }
0x49: {  	_ =	shalt  }
0x4a: {  	_ =	shalt  }
0x4b: {  	_ =	shalt  }
0x4c: {  	_ =	shalt  }
0x4d: {  	_ =	shalt  }
0x4e: {  	_ =	shalt  }
0x4f: {  	_ =	shalt  }
0x50: {  	_ =	shalt  }
0x51: {  	_ =	shalt  }
0x52: {  	_ =	shalt  }
0x53: {  	_ =	shalt  }
0x54: {  	_ =	shalt  }
0x55: {  	_ =	shalt  }
0x56: {  	_ =	shalt  }
0x57: {  	_ =	shalt  }
0x58: {  	_ =	shalt  }
0x59: {  	_ =	shalt  }
0x5a: {  	_ =	shalt  }
0x5b: {  	_ =	shalt  }
0x5c: {  	_ =	shalt  }
0x5d: {  	_ =	shalt  }
0x5e: {  	_ =	shalt  }
0x5f: {  	_ =	shalt  }
0x60: {  	_ =	shalt  }
0x61: {  	_ =	shalt  }
0x62: {  	_ =	shalt  }
0x63: {  	_ =	shalt  }
0x64: {  	_ =	shalt  }
0x65: {  	_ =	shalt  }
0x66: {  	_ =	shalt  }
0x67: {  	_ =	shalt  }
0x68: {  	_ =	shalt  }
0x69: {  	_ =	shalt  }
0x6a: {  	_ =	shalt  }
0x6b: {  	_ =	shalt  }
0x6c: {  	_ =	shalt  }
0x6d: {  	_ =	shalt  }
0x6e: {  	_ =	shalt  }
0x6f: {  	_ =	shalt  }
0x70: {  	_ =	shalt  }
0x71: {  	_ =	shalt  }
0x72: {  	_ =	shalt  }
0x73: {  	_ =	shalt  }
0x74: {  	_ =	shalt  }
0x75: {  	_ =	shalt  }
0x76: {  	_ =	shalt  }
0x77: {  	_ =	shalt  }
0x78: {  	_ =	shalt  }
0x79: {  	_ =	shalt  }
0x7a: {  	_ =	shalt  }
0x7b: {  	_ =	shalt  }
0x7c: {  	_ =	shalt  }
0x7d: {  	_ =	shalt  }
0x7e: {  	_ =	shalt  }
0x7f: {  	_ =	shalt  }
0x80: {  	_ =	shalt  }
0x81: {  	_ =	shalt  }
0x82: {  	_ =	shalt  }
0x83: {  	_ =	shalt  }
0x84: {  	_ =	shalt  }
0x85: {  	_ =	shalt  }
0x86: {  	_ =	shalt  }
0x87: {  	_ =	shalt  }
.Lfunc_end0:
.L_simem_size_0:
called_computation_lowered:
.L_overlay_start_0:
0x88: {  	s0 =	sld [smem:$0x3FD9]  }
0x89: {  	s1 =	sld [smem:$0x3FFE];
	_ =	sdelay $0x3  }
0x8a: {  	s0 =	sadd.s32 s1, s0  }
0x8b: {  	[smem:$0x3FC1] =	sst s0  }
0x8c: {  	_ = 	snop  }
0x8d: {  	s0 =	sld [smem:$0x3FD0];
	_ =	sdelay $0x2  }
0x8e: {  	s13 =	simm.s32 $0xA;
	s2 =	simm.s32 $0x10  }
0x8f: {  	[smem:s2], [sflag:s13] =	dma.local [hbm:s0], $0x1  }
0x90: {  	_ =	swait.eq [sflag:s13], $0x1  }
0x91: {  	[sflag:s13] =	ssyncset.done $0x0  }
0x92: {  	[sflag:s13] =	ssyncadd.s32 $0xFFFFFFFF  }
0x93: {  	s14 =	sld [smem:$0x11];
	(tm) =	ssettm $0x1  }
0x94: {  	s15 =	sld [smem:$0x3FFB];
	_ =	sdelay $0x3  }
0x95: {  	_ =	strace s15  }
0x96: {  	s1 =	sld [smem:$0x3FFC];
	_ =	sdelay $0x3  }
0x97: {  	_ =	strace s1  }
0x98: {  	s1 =	sld [smem:$0x3FFD];
	_ =	sdelay $0x3  }
0x99: {  	_ =	strace s1  }
0x9a: {  	_ =	strace $0x8FFFFFFF  }
0x9b: {  	s16 =	sld [smem:$0x3FDB];
	_ =	sdelay $0x1  }
0x9c: {  	s17 =	simm.s32 $_scs_section_size  }
0x9d: {  	s3 =	simm.s32 $_size__tile_overlayer_lowered;
	s4 =	simm.s32 $_tile_overlayer_lowered  }
0x9e: {  	s20 =	simm.s32 $0x1BFF;
	s19 =	sshll.u32 s4, $0x1;
	s1 =	sadd.s32 s17, s16  }
0x9f: {  	s5 =	simm.s32 $0x0;
	s18 =	sshll.u32 s3, $0x1;
	s3 =	sadd.s32 s19, s1  }
0xa0: {  	[timem:s5], [sflag:s20] =	dma.local [hbm:s3], s18  }
0xa1: {  	_ =	swait.ge [sflag:s20], s18  }
0xa2: {  	s2 =	ssub.s32 $0x0, s18;
	[sflag:s20] =	ssyncset.done $0x0  }
0xa3: {  	[sflag:s20] =	ssyncadd.s32 s2;
	_ =	sdelay $0x1  }
0xa4: {  	s21 =	simm.s32 $0x1B8B  }
0xa5: {  	_ =	swait.ge [sflag:s21], $0x1  }
0xa6: {  	[sflag:s21] =	ssyncset.done $0x0  }
0xa7: {  	s23 =	simm.s32 $0x1B8E;
	s22 =	sld [smem:$0x3FFE];
	[sflag:s21] =	ssyncadd.s32 $0xFFFFFFFF  }
0xa8: {  	s24 =	simm.s32 $execute0_lowered;
	[smem:$0x3FD2] =	sst s23  }
0xa9: {  	s3 =	sshll.u32 s24, $0x1;
	_ =	strace $0x80000046;
	[dreg:$0x1] =	wrdreg $0xFFFFFFFF  }
0xaa: {  	s25 =	simm.s32 $_size_execute0_lowered;
	s1 =	sadd.s32 s1, s3;
	[dreg:$0x0] =	wrdreg $0x0  }
0xab: {  	s3 =	sshll.u32 s25, $0x1;
	[dreg:$0x2] =	wrdreg s1  }
0xac: {  	[dreg:$0x3] =	wrdreg s3  }
0xad: {  	[dreg:$0x4] =	wrdreg $0xC0  }
0xae: {  	_ =	task [dreg:s5], $0x5FFFF  }
0xaf: {  	[dreg:$0x1] =	wrdreg $0xFFFFFFFF  }
0xb0: {  	[dreg:$0x0] =	wrdreg $0x60  }
0xb1: {  	[dreg:$0x2] =	wrdreg s14  }
0xb2: {  	[dreg:$0x3] =	wrdreg s22  }
0xb3: {  	[dreg:$0x4] =	wrdreg $0x9  }
0xb4: {  	_ =	task.clear_ibuf [dreg:s5], $0x5FFFF;
	_ =	strace $0x90000046  }
0xb5: {  	s26 =	simm.s32 $0x9;
	_ =	strace $0x80000048  }
0xb6: {  	_ =	swait.ge [sflag:s26], $0x1  }
0xb7: {  	[sflag:s26] =	ssyncadd.s32 $0xFFFFFFFF  }
0xb8: {  	_ =	strace $0x90000048  }
0xb9: {  	_ =	sfence  }
0xba: {  	s28 =	sld [smem:$0x0];
	_ =	sdelay $0x1  }
0xbb: {  	s29 =	srdreg.scid  }
0xbc: {  	s30 =	sshll.u32 s29, $0xD;
	s31 =	sshrl.u32 s29, $0x2  }
0xbd: {  	s2 =	sand.u32 $0x4000, s30;
	s1 =	sand.u32 $0x1, s29;
	s0 =	sadd.s32 s31, s28  }
0xbe: {  	s1 =	sor.u32 s2, s1;
	s0 =	sshll.u32 s0, $0x11  }
0xbf: {  	s0 =	sor.u32 s0, s1  }
0xc0: {  	s0 =	sadd.s32 $0x8F2B, s0  }
0xc1: {  	[sflag:s0] =	ssyncadd.remote.s32 $0x1  }
0xc2: {  	_ =	sfence.sel $0xFFFF  }
0xc3: {  	[dreg:$0x0] =	wrdreg $0xFFFFFFFF;
	(pc) =	sbr.abs _section_cstart, $3  }
0xc4: {  	[dreg:$0x1] =	wrdreg $0xFFFFFFFF  }
0xc5: {  	_ =	task.clear_ibuf [dreg:s5], $0x2FFFF;
	_ =	strace $0x9FFFFFFF  }
0xc6: {  	(tm) =	ssettm $0x7FFFFFFF  }
0xc7: {  	_ =	shalt  }
tec
execute0_lowered:
.L_overlay_start_1:
0x0: {  	(tag) =	ssettag $0x1  }
0x1: {  	s1 =	rddreg [dreg:$0x0]  }
0x2: {  	s2 =	rddreg [dreg:$0x1]  }
0x3: {  	s0 =	rddreg [dreg:$0x2];
	s3 =	stileid.u32  }
0x4: {  	_ =	strace $0x80000047;
	s4 =	simm.s32 $0x3E;
	p0 =	sne.s32 s3, $0x0  }
0x5: {  	[sflag:s4] =	ssyncpa.u1 $0x0;
	s5 =	simm.s32 @!p0 $0x1C3E;
	s6 =	simm.s32 @!p0 $0x0  }
0x6: {  	[spmem:s6], [sflag:s5] =	dma.local @!p0 [hbm:s1], $0x80  }
0x7: {  	s5 =	simm.s32 @!p0 $0x3E  }
0x8: {  	_ =	swait.ge @!p0 [sflag:s5], $0x80  }
0x9: {  	[sflag:s5] =	ssyncset.done @!p0 $0x0  }
0xa: {  	s21 =	simm.s32 $0x1;
	[sflag:s5] =	ssyncadd.s32 @!p0 $0xFFFFFF80  }
0xb: {  	s7 =	simm.s32 $0x2;
	s8 =	simm.s32 $0x0;
	[bflag:$0x0] =	sbarrier.arrive $0xFFFF  }
0xc: {  	s9 =	simm.s32 $0x80;
	s22 =	sadd.s32 $0x400, s2;
	[sflag:s4] =	ssyncpa.u1 $0x1  }
0xd: {  	s2 =	sadd.s32 $0x600, s2;
	s3 =	sshll.u32 s3, $0x3;
	[sflag:s21] =	ssyncpa.u1 $0x0  }
0xe: {  	s5 =	sadd.s32 s22, s3;
	(ifvalue) =	ssetifvalue $0x400;
	[sflag:s7] =	ssyncpa.u1 $0x0  }
0xf: {  	[tilespmem:s9], [sflag:$0x2] =	stream.linear.gather [hbm4b:s5+s8], $0x40, $0x38;
	[tilespmem:$0x140] =	vst v63  }
0x10: {  	s23 =	simm.s32 $0x100;
	s2 =	sadd.s32 s2, s3  }
0x11: {  	[tilespmem:s23], [sflag:$0x2] =	stream.linear.gather [hbm4b:s2+s8], $0x40, $0x38;
	[tilespmem:$0x140] =	vst v63  }
0x12: {  	_ =	swait.ge [sflag:s7], $0x80  }
0x13: {  	[sflag:s7] =	ssyncset.done $0x0  }
0x14: {  	[sflag:s7] =	ssyncadd.s32 $0xFFFFFF80  }
0x15: {  	v0 =	vld.msk [tilespmem:s9+$0x0 ss:$0x1], $0xffff;
	_ =	sdelay $0x4  }
0x16: {  	v0 =	vmin.u32 v0, $0x400;
	_ =	sdelay $0x3  }
0x17: {  	vm0 =	vmmov $0xffff;
	s24 =	simm.s32 $0x90  }
0x18: {  	[spmem:s8] =	stream.indirect_vreg.scatter.add.s32 [tilespmem:s23], [sflag:$0x1], $0x1, v0, vm0, $0x4038;
	[tilespmem:$0x140] =	vst v63  }
0x19: {  	v0 =	vld.msk [tilespmem:s24+$0x0 ss:$0x1], $0xffff;
	_ =	sdelay $0x4  }
0x1a: {  	v0 =	vmin.u32 v0, $0x400;
	_ =	sdelay $0x3  }
0x1b: {  	s25 =	simm.s32 $0x110;
	s26 =	simm.s32 $0xA0  }
0x1c: {  	[spmem:s8] =	stream.indirect_vreg.scatter.add.s32 [tilespmem:s25], [sflag:$0x1], $0x1, v0, vm0, $0x4038;
	[tilespmem:$0x140] =	vst v63  }
0x1d: {  	v0 =	vld.msk [tilespmem:s26+$0x0 ss:$0x1], $0xffff;
	_ =	sdelay $0x4  }
0x1e: {  	v0 =	vmin.u32 v0, $0x400;
	_ =	sdelay $0x3  }
0x1f: {  	s28 =	simm.s32 $0x120;
	s29 =	simm.s32 $0xB0  }
0x20: {  	[spmem:s8] =	stream.indirect_vreg.scatter.add.s32 [tilespmem:s28], [sflag:$0x1], $0x1, v0, vm0, $0x4038;
	[tilespmem:$0x140] =	vst v63  }
0x21: {  	v0 =	vld.msk [tilespmem:s29+$0x0 ss:$0x1], $0xffff;
	_ =	sdelay $0x4  }
0x22: {  	v0 =	vmin.u32 v0, $0x400;
	_ =	sdelay $0x3  }
0x23: {  	s30 =	simm.s32 $0x130  }
0x24: {  	[spmem:s8] =	stream.indirect_vreg.scatter.add.s32 [tilespmem:s30], [sflag:$0x1], $0x1, v0, vm0, $0x4038;
	[tilespmem:$0x140] =	vst v63  }
0x25: {  	_ =	swait.ge [sflag:s21], $0x40  }
0x26: {  	[sflag:s21] =	ssyncset.done $0x0  }
0x27: {  	[sflag:s21] =	ssyncadd.s32 $0xFFFFFFC0  }
0x28: {  	_ =	sfence.sel $0x180000  }
0x29: {  	[bflag:$0x0] =	sbarrier.arrive $0xFFFF  }
0x2a: {  	[sflag:s7] =	ssyncpa.u1 $0x1  }
0x2b: {  	[sflag:s21] =	ssyncpa.u1 $0x1  }
0x2c: {  	_ =	sfence.stream.spmem  }
0x2d: {  	s31 =	simm.s32 $0x3D;
	[bflag:$0x0] =	sbarrier.arrive $0xFFFF  }
0x2e: {  	s2 =	simm.s32 @p0 $0x3D;
	[sflag:s31] =	ssyncpa.u1 $0x0  }
0x2f: {  	[sflag:s2] =	ssyncpa.u1 @p0 $0x1  }
0x30: {  	[bflag:$0x0] =	sbarrier.arrive @p0 $0xFFFF  }
0x31: {  	_ =	strace @p0 $0x90000047  }
0x32: {  	s2 =	simm.s32 @!p0 $0x1C3D;
	[bflag:$0x2] =	sbarrier.arrive @p0 $0xFFFF  }
0x33: {  	[hbm:s1], [sflag:s2] =	dma.local @!p0 [spmem:s6], $0x80  }
0x34: {  	s1 =	simm.s32 @!p0 $0x3D  }
0x35: {  	_ =	swait.ge @!p0 [sflag:s1], $0x80  }
0x36: {  	[sflag:s1] =	ssyncset.done @!p0 $0x0  }
0x37: {  	[sflag:s1] =	ssyncadd.s32 @!p0 $0xFFFFFF80  }
0x38: {  	[sflag:s1] =	ssyncpa.u1 @!p0 $0x1  }
0x39: {  	[bflag:$0x0] =	sbarrier.arrive @!p0 $0xFFFF  }
0x3a: {  	_ =	strace @!p0 $0x90000047  }
0x3b: {  	s0 =	sadd.s32 @!p0 $0x100000, s0;
	[bflag:$0x2] =	sbarrier.arrive @!p0 $0xFFFF  }
0x3c: {  	[sflag:s0] =	ssyncadd.tile.s32 @!p0 $0x1;
	_ =	shalt  }
.Lfunc_end2:
_tile_overlayer_lowered:
.L_overlay_start_2:
0x3d: {  	(tag) =	ssettag $0x2  }
0x3e: {  	s0 =	rddreg [dreg:$0x0];
	s2 =	stileid.u32  }
0x3f: {  	s1 =	rddreg [dreg:$0x1];
	p0 =	sne.s32 s2, $0x0  }
0x40: {  	s3 =	rddreg [dreg:$0x2];
	[bflag:$0x3] =	sbarrier.arrive $0xFFFF;
	s2 =	simm.s32 @!p0 $0x1C01  }
0x41: {  	[timem:s3], [sflag:s2] =	dma.local @!p0 [hbm:s0], s1  }
0x42: {  	s0 =	simm.s32 @!p0 $0x1  }
0x43: {  	_ =	swait.ge @!p0 [sflag:s0], s1  }
0x44: {  	s1 =	ssub.s32 @!p0 $0x0, s1;
	[sflag:s0] =	ssyncset.done @!p0 $0x0  }
0x45: {  	[sflag:s0] =	ssyncadd.s32 @!p0 s1  }
0x46: {  	[bflag:$0x3] =	sbarrier.arrive $0xFFFF  }
0x47: {  	_ =	shalt  }

</sc_bundles>
